<compile_context>
chip_gen: v7x
topology: tpu7x:2x2x1
jax: 0.10.2.dev20260603
libtpu: 0.0.44.dev20260713+nightly
codegen_flags: <defaults>
</compile_context>

<pallas_src>
import jax
import jax.numpy as jnp
import numpy as np
from jax.experimental import pallas as pl
from jax.experimental.pallas import tpu as pltpu

_N, _A, _W, _H, _D = 2, 3, 32, 32, 32
_NB = 6
_RES = 160.0
_PRE = 2048
_POST = 512
_TH = 0.7
_MIN = 1e-3
_XCLIP = float(np.log(1000.0 / 16.0))


def _rpn_nms_kernel(dt_ref, at_ref, s_ref, out_ref):
    dt = dt_ref[0]
    at = at_ref[0]
    sc = s_ref[0]

    a1 = at[0:3, :]
    a2 = at[3:6, :]
    wdh = a2 - a1
    ctr = a1 + 0.5 * wdh
    pc = dt[0:3, :] * wdh + ctr
    psz = jnp.exp(jnp.minimum(dt[3:6, :], _XCLIP)) * wdh
    lo = jnp.clip(pc - 0.5 * psz, 0.0, _RES)
    hi = jnp.clip(pc + 0.5 * psz, 0.0, _RES)
    szs = hi - lo
    probs = jax.nn.sigmoid(sc)
    valid = ((szs[0:1] >= _MIN) & (szs[1:2] >= _MIN)
             & (szs[2:3] >= _MIN) & (probs > 0.0))
    vol = szs[0:1] * szs[1:2] * szs[2:3]

    x1, y1, z1 = lo[0:1], lo[1:2], lo[2:3]
    x2, y2, z2 = hi[0:1], hi[1:2], hi[2:3]
    lane = jax.lax.broadcasted_iota(jnp.int32, (1, _PRE), 1)
    l8 = jax.lax.broadcasted_iota(jnp.int32, (1, 8), 1)

    out_ref[...] = jnp.zeros((1, _POST, 8), jnp.float32)

    def _pick(v, i):
        return jnp.sum(jnp.where(lane == i, v, 0.0))

    def body(i, carry):
        supp, c = carry
        bx1 = _pick(x1, i); by1 = _pick(y1, i); bz1 = _pick(z1, i)
        bx2 = _pick(x2, i); by2 = _pick(y2, i); bz2 = _pick(z2, i)
        bv = _pick(vol, i); bp = _pick(probs, i)
        alive = _pick(supp, i) < 0.5
        ix = jnp.maximum(jnp.minimum(x2, bx2) - jnp.maximum(x1, bx1), 0.0)
        iy = jnp.maximum(jnp.minimum(y2, by2) - jnp.maximum(y1, by1), 0.0)
        iz = jnp.maximum(jnp.minimum(z2, bz2) - jnp.maximum(z1, bz1), 0.0)
        inter = ix * iy * iz
        iou = inter / (vol + bv - inter + 1e-9)
        mask = ((iou > _TH) & (lane > i)).astype(jnp.float32)
        supp = jnp.where(alive, jnp.maximum(supp, mask), supp)
        emit = alive & (c < _POST)

        @pl.when(emit)
        def _():
            row = jnp.where(l8 == 0, bx1,
                  jnp.where(l8 == 1, by1,
                  jnp.where(l8 == 2, bz1,
                  jnp.where(l8 == 3, bx2,
                  jnp.where(l8 == 4, by2,
                  jnp.where(l8 == 5, bz2,
                  jnp.where(l8 == 6, bp, 0.0)))))))
            out_ref[0, pl.ds(c, 1), :] = row

        return supp, c + jnp.where(emit, 1, 0).astype(jnp.int32)

    supp0 = 1.0 - valid.astype(jnp.float32)
    jax.lax.fori_loop(0, _PRE, body, (supp0, jnp.int32(0)))


def kernel(box_cls, box_regression, anchors):
    n = _N
    scores = (box_cls.reshape(n, _A, 1, _W, _H, _D)
              .transpose(0, 3, 4, 5, 1, 2).reshape(n, -1))
    deltas = (box_regression.reshape(n, _A, _NB, _W, _H, _D)
              .transpose(0, 3, 4, 5, 1, 2).reshape(n, -1, _NB))
    top_s, top_i = jax.lax.top_k(scores, _PRE)
    d = jnp.take_along_axis(deltas, top_i[..., None], axis=1)
    anc = jnp.take(anchors, top_i, axis=0)
    dt = d.transpose(0, 2, 1)
    at = anc.transpose(0, 2, 1)
    sc = top_s[:, None, :]

    out = pl.pallas_call(
        _rpn_nms_kernel,
        grid=(n,),
        in_specs=[
            pl.BlockSpec((1, 6, _PRE), lambda i: (i, 0, 0)),
            pl.BlockSpec((1, 6, _PRE), lambda i: (i, 0, 0)),
            pl.BlockSpec((1, 1, _PRE), lambda i: (i, 0, 0)),
        ],
        out_specs=pl.BlockSpec((1, _POST, 8), lambda i: (i, 0, 0)),
        out_shape=jax.ShapeDtypeStruct((n, _POST, 8), jnp.float32),
    )(dt, at, sc)
    return out[..., :7]

# --- scband reference (transcript-rebuilt; emitter-appended) ---
"""Pipeline reference for scband-region-proposal-network-61151744360590 (READ-ONLY COPY).

The authoritative reference and input builder live on the scoring server;
editing this copy changes nothing except your own understanding.
"""

import jax, jax.numpy as jnp
import numpy as np

N, A, W, H, D = 2, 3, 32, 32, 32
NUM_BBOX = 6
RES = 160.0
PRE_NMS = 2048
POST_NMS = 512
NMS_TH = 0.7
SCORE_TH = 0.0
MIN_SIZE = 1e-3
XFORM_CLIP = float(np.log(1000.0 / 16.0))


def setup_inputs(seed: int = 0):
    key = jax.random.key(seed)
    k1, k2, k3, k4 = jax.random.split(key, 4)
    box_cls = jax.random.normal(k1, (N, A * 1, W, H, D), jnp.float32)
    box_regression = jax.random.normal(k2, (N, A * NUM_BBOX, W, H, D), jnp.float32) * 0.1
    nA = A * W * H * D
    ctr = jax.random.uniform(k3, (nA, 3), jnp.float32) * RES
    size = jax.random.uniform(k4, (nA, 3), jnp.float32) * 24.0 + 4.0
    anchors = jnp.concatenate([ctr - 0.5 * size, ctr + 0.5 * size], axis=-1)
    return {"box_cls": box_cls, "box_regression": box_regression, "anchors": anchors}


def permute_and_flatten(layer, n, a, c, w, h, d):
    layer = layer.reshape(n, a, c, w, h, d)
    layer = jnp.transpose(layer, (0, 3, 4, 5, 1, 2))
    return layer.reshape(n, -1, c)


def decode(deltas, anchors):
    # AABBCoder decode: deltas = (dx,dy,dz,dw,dh,dd) relative to anchor center/size
    wdh = anchors[..., 3:] - anchors[..., :3]
    ctr = anchors[..., :3] + 0.5 * wdh
    p_ctr = deltas[..., :3] * wdh + ctr
    p_size = jnp.exp(jnp.clip(deltas[..., 3:], None, XFORM_CLIP)) * wdh
    return jnp.concatenate([p_ctr - 0.5 * p_size, p_ctr + 0.5 * p_size], axis=-1)


def pairwise_iou_3d(b1, b2):
    lt = jnp.maximum(b1[:, None, :3], b2[None, :, :3])
    rb = jnp.minimum(b1[:, None, 3:], b2[None, :, 3:])
    whd = jnp.clip(rb - lt, 0.0)
    inter = whd[..., 0] * whd[..., 1] * whd[..., 2]
    v1 = jnp.prod(jnp.clip(b1[:, 3:] - b1[:, :3], 0.0), axis=-1)
    v2 = jnp.prod(jnp.clip(b2[:, 3:] - b2[:, :3], 0.0), axis=-1)
    union = v1[:, None] + v2[None, :] - inter
    return inter / (union + 1e-9)


def nms_3d(boxes, thresh, max_out):
    # greedy NMS on boxes pre-sorted by descending score
    n = boxes.shape[0]
    b = jax.lax.stop_gradient(boxes)
    ious = pairwise_iou_3d(b, b)
    idxr = jnp.arange(n)

    def body(i, suppressed):
        mask = (ious[i] > thresh) & (idxr > i)
        return jnp.where(suppressed[i], suppressed, suppressed | mask)

    suppressed = jax.lax.fori_loop(0, n, body, jnp.zeros((n,), dtype=bool))
    keep = jnp.logical_not(suppressed)
    order = jnp.argsort(jnp.where(keep, 0, 1))  # stable: kept boxes first, score order preserved
    idx = order[:max_out]
    return idx, keep[idx]


def _forward(box_cls, box_regression, anchors):
    scores = permute_and_flatten(box_cls, N, A, 1, W, H, D)[..., 0]            # [N, nA]
    deltas = permute_and_flatten(box_regression, N, A, NUM_BBOX, W, H, D)      # [N, nA, 6]
    proposals = decode(deltas, anchors)                                        # [N, nA, 6]
    outs = []
    for i in range(N):
        top_s, top_i = jax.lax.top_k(scores[i], PRE_NMS)
        tb = jnp.clip(proposals[i][top_i], 0.0, RES)                           # clip to mesh bounds
        sizes = tb[:, 3:] - tb[:, :3]
        probs = jax.nn.sigmoid(top_s)
        valid = jnp.all(sizes >= MIN_SIZE, axis=-1) & (probs > SCORE_TH)       # remove small / low score
        probs = jnp.where(valid, probs, -1.0)
        ps, oi = jax.lax.top_k(probs, PRE_NMS)                                 # re-sort after masking
        sb = tb[oi]
        kidx, kvalid = nms_3d(sb, NMS_TH, POST_NMS)
        kvalid = kvalid & (ps[kidx] > 0.0)
        fb = jnp.where(kvalid[:, None], sb[kidx], 0.0)
        fs = jnp.where(kvalid, ps[kidx], 0.0)
        outs.append(jnp.concatenate([fb, fs[:, None]], axis=-1))
    return jnp.stack(outs, axis=0)                                             # [N, POST_NMS, 7]


def reference(box_cls, box_regression, anchors):
    return _forward(box_cls, box_regression, anchors)

if __name__ == "__main__":
    import jax
    _d = setup_inputs()
    print(jax.jit(kernel)(*tuple(_d.values())))

</pallas_src>

<mosaic_0001>
module attributes {stable_mosaic.version = 14 : i64} {
  func.func @_rpn_nms_kernel(%arg0: i32, %arg1: memref<1x6x2048xf32, #tpu.memory_space<vmem>>, %arg2: memref<1x6x2048xf32, #tpu.memory_space<vmem>>, %arg3: memref<1x1x2048xf32, #tpu.memory_space<vmem>>, %arg4: memref<1x512x8xf32, #tpu.memory_space<vmem>>) attributes {dimension_semantics = [#tpu.dimension_semantics<arbitrary>], iteration_bounds = array<i64: 2>, scalar_prefetch = 0 : i64, scratch_operands = 0 : i64, tpu.core_type = #tpu.core_type<tc>, window_params = [{transform_indices = @transform_0, window_bounds = array<i64: 1, 6, 2048>}, {transform_indices = @transform_1, window_bounds = array<i64: 1, 6, 2048>}, {transform_indices = @transform_2, window_bounds = array<i64: 1, 1, 2048>}, {transform_indices = @transform_3, window_bounds = array<i64: 1, 512, 8>}]} {
    %get3A = arith.constant 0 : index
    %get3A_0 = arith.constant 0 : index
    %get3A_1 = arith.constant 0 : index
    %get3A_2 = vector.load %arg1[%get3A, %get3A_0, %get3A_1] : memref<1x6x2048xf32, #tpu.memory_space<vmem>>, vector<1x6x2048xf32>
    %get3A_3 = vector.shape_cast %get3A_2 : vector<1x6x2048xf32> to vector<6x2048xf32>
    %get3A_4 = arith.constant 0 : index
    %get3A_5 = arith.constant 0 : index
    %get3A_6 = arith.constant 0 : index
    %get3A_7 = vector.load %arg2[%get3A_4, %get3A_5, %get3A_6] : memref<1x6x2048xf32, #tpu.memory_space<vmem>>, vector<1x6x2048xf32>
    %get3A_8 = vector.shape_cast %get3A_7 : vector<1x6x2048xf32> to vector<6x2048xf32>
    %get3A_9 = arith.constant 0 : index
    %get3A_10 = arith.constant 0 : index
    %get3A_11 = arith.constant 0 : index
    %get3A_12 = vector.load %arg3[%get3A_9, %get3A_10, %get3A_11] : memref<1x1x2048xf32, #tpu.memory_space<vmem>>, vector<1x1x2048xf32>
    %get3A_13 = vector.shape_cast %get3A_12 : vector<1x1x2048xf32> to vector<1x2048xf32>
    %slice3A = vector.extract_strided_slice %get3A_8 {offsets = [0, 0], sizes = [3, 2048], strides = [1, 1]} : vector<6x2048xf32> to vector<3x2048xf32>
    %slice3A_14 = vector.extract_strided_slice %get3A_8 {offsets = [3, 0], sizes = [3, 2048], strides = [1, 1]} : vector<6x2048xf32> to vector<3x2048xf32>
    %sub3A = arith.subf %slice3A_14, %slice3A : vector<3x2048xf32>
    %mul3A = arith.constant 5.000000e-01 : f32
    %mul3A_15 = vector.broadcast %mul3A : f32 to vector<3x2048xf32>
    %mul3A_16 = arith.mulf %mul3A_15, %sub3A : vector<3x2048xf32>
    %add3A = arith.addf %slice3A, %mul3A_16 : vector<3x2048xf32>
    %slice3A_17 = vector.extract_strided_slice %get3A_3 {offsets = [0, 0], sizes = [3, 2048], strides = [1, 1]} : vector<6x2048xf32> to vector<3x2048xf32>
    %mul3A_18 = arith.mulf %slice3A_17, %sub3A : vector<3x2048xf32>
    %add3A_19 = arith.addf %mul3A_18, %add3A : vector<3x2048xf32>
    %slice3A_20 = vector.extract_strided_slice %get3A_3 {offsets = [3, 0], sizes = [3, 2048], strides = [1, 1]} : vector<6x2048xf32> to vector<3x2048xf32>
    %min3A = arith.constant 4.13516665 : f32
    %min3A_21 = vector.broadcast %min3A : f32 to vector<3x2048xf32>
    %min3A_22 = arith.minimumf %slice3A_20, %min3A_21 : vector<3x2048xf32>
    %exp3A = math.exp %min3A_22 : vector<3x2048xf32>
    %mul3A_23 = arith.mulf %exp3A, %sub3A : vector<3x2048xf32>
    %mul3A_24 = arith.constant 5.000000e-01 : f32
    %mul3A_25 = vector.broadcast %mul3A_24 : f32 to vector<3x2048xf32>
    %mul3A_26 = arith.mulf %mul3A_25, %mul3A_23 : vector<3x2048xf32>
    %sub3A_27 = arith.subf %add3A_19, %mul3A_26 : vector<3x2048xf32>
    %jit3A = arith.constant 0.000000e+00 : f32
    %jit3A_28 = arith.constant 1.600000e+02 : f32
    %max3A = vector.broadcast %jit3A : f32 to vector<3x2048xf32>
    %max3A_29 = arith.maximumf %max3A, %sub3A_27 : vector<3x2048xf32>
    %min3A_30 = vector.broadcast %jit3A_28 : f32 to vector<3x2048xf32>
    %min3A_31 = arith.minimumf %min3A_30, %max3A_29 : vector<3x2048xf32>
    %mul3A_32 = arith.constant 5.000000e-01 : f32
    %mul3A_33 = vector.broadcast %mul3A_32 : f32 to vector<3x2048xf32>
    %mul3A_34 = arith.mulf %mul3A_33, %mul3A_23 : vector<3x2048xf32>
    %add3A_35 = arith.addf %add3A_19, %mul3A_34 : vector<3x2048xf32>
    %jit3A_36 = arith.constant 0.000000e+00 : f32
    %jit3A_37 = arith.constant 1.600000e+02 : f32
    %max3A_38 = vector.broadcast %jit3A_36 : f32 to vector<3x2048xf32>
    %max3A_39 = arith.maximumf %max3A_38, %add3A_35 : vector<3x2048xf32>
    %min3A_40 = vector.broadcast %jit3A_37 : f32 to vector<3x2048xf32>
    %min3A_41 = arith.minimumf %min3A_40, %max3A_39 : vector<3x2048xf32>
    %sub3A_42 = arith.subf %min3A_41, %min3A_31 : vector<3x2048xf32>
    %logistic3A = arith.negf %get3A_13 : vector<1x2048xf32>
    %logistic3A_43 = math.exp %logistic3A : vector<1x2048xf32>
    %logistic3A_44 = arith.constant 1.000000e+00 : f32
    %logistic3A_45 = vector.broadcast %logistic3A_44 : f32 to vector<1x2048xf32>
    %logistic3A_46 = arith.addf %logistic3A_45, %logistic3A_43 : vector<1x2048xf32>
    %logistic3A_47 = arith.divf %logistic3A_45, %logistic3A_46 : vector<1x2048xf32>
    %slice3A_48 = vector.extract_strided_slice %sub3A_42 {offsets = [0, 0], sizes = [1, 2048], strides = [1, 1]} : vector<3x2048xf32> to vector<1x2048xf32>
    %ge3A = arith.constant 1.000000e-03 : f32
    %ge3A_49 = vector.broadcast %ge3A : f32 to vector<1x2048xf32>
    %ge3A_50 = arith.cmpf oge, %slice3A_48, %ge3A_49 : vector<1x2048xf32>
    %slice3A_51 = vector.extract_strided_slice %sub3A_42 {offsets = [1, 0], sizes = [1, 2048], strides = [1, 1]} : vector<3x2048xf32> to vector<1x2048xf32>
    %ge3A_52 = arith.constant 1.000000e-03 : f32
    %ge3A_53 = vector.broadcast %ge3A_52 : f32 to vector<1x2048xf32>
    %ge3A_54 = arith.cmpf oge, %slice3A_51, %ge3A_53 : vector<1x2048xf32>
    %and3A = arith.andi %ge3A_50, %ge3A_54 : vector<1x2048xi1>
    %slice3A_55 = vector.extract_strided_slice %sub3A_42 {offsets = [2, 0], sizes = [1, 2048], strides = [1, 1]} : vector<3x2048xf32> to vector<1x2048xf32>
    %ge3A_56 = arith.constant 1.000000e-03 : f32
    %ge3A_57 = vector.broadcast %ge3A_56 : f32 to vector<1x2048xf32>
    %ge3A_58 = arith.cmpf oge, %slice3A_55, %ge3A_57 : vector<1x2048xf32>
    %and3A_59 = arith.andi %and3A, %ge3A_58 : vector<1x2048xi1>
    %gt3A = arith.constant 0.000000e+00 : f32
    %gt3A_60 = vector.broadcast %gt3A : f32 to vector<1x2048xf32>
    %gt3A_61 = arith.cmpf ogt, %logistic3A_47, %gt3A_60 : vector<1x2048xf32>
    %and3A_62 = arith.andi %and3A_59, %gt3A_61 : vector<1x2048xi1>
    %slice3A_63 = vector.extract_strided_slice %sub3A_42 {offsets = [0, 0], sizes = [1, 2048], strides = [1, 1]} : vector<3x2048xf32> to vector<1x2048xf32>
    %slice3A_64 = vector.extract_strided_slice %sub3A_42 {offsets = [1, 0], sizes = [1, 2048], strides = [1, 1]} : vector<3x2048xf32> to vector<1x2048xf32>
    %mul3A_65 = arith.mulf %slice3A_63, %slice3A_64 : vector<1x2048xf32>
    %slice3A_66 = vector.extract_strided_slice %sub3A_42 {offsets = [2, 0], sizes = [1, 2048], strides = [1, 1]} : vector<3x2048xf32> to vector<1x2048xf32>
    %mul3A_67 = arith.mulf %mul3A_65, %slice3A_66 : vector<1x2048xf32>
    %slice3A_68 = vector.extract_strided_slice %min3A_31 {offsets = [0, 0], sizes = [1, 2048], strides = [1, 1]} : vector<3x2048xf32> to vector<1x2048xf32>
    %slice3A_69 = vector.extract_strided_slice %min3A_31 {offsets = [1, 0], sizes = [1, 2048], strides = [1, 1]} : vector<3x2048xf32> to vector<1x2048xf32>
    %slice3A_70 = vector.extract_strided_slice %min3A_31 {offsets = [2, 0], sizes = [1, 2048], strides = [1, 1]} : vector<3x2048xf32> to vector<1x2048xf32>
    %slice3A_71 = vector.extract_strided_slice %min3A_41 {offsets = [0, 0], sizes = [1, 2048], strides = [1, 1]} : vector<3x2048xf32> to vector<1x2048xf32>
    %slice3A_72 = vector.extract_strided_slice %min3A_41 {offsets = [1, 0], sizes = [1, 2048], strides = [1, 1]} : vector<3x2048xf32> to vector<1x2048xf32>
    %slice3A_73 = vector.extract_strided_slice %min3A_41 {offsets = [2, 0], sizes = [1, 2048], strides = [1, 1]} : vector<3x2048xf32> to vector<1x2048xf32>
    %iota3A = tpu.iota {dimensions = array<i32: 1>} : vector<1x2048xi32>
    %iota3A_74 = tpu.iota {dimensions = array<i32: 1>} : vector<1x8xi32>
    %broadcast_in_dim3A = arith.constant 0.000000e+00 : f32
    %broadcast_in_dim3A_75 = vector.broadcast %broadcast_in_dim3A : f32 to vector<1x512x8xf32>
    %swap3A = arith.constant 0 : index
    %swap3A_76 = arith.constant 0 : index
    %swap3A_77 = arith.constant 0 : index
    %swap3A_78 = vector.load %arg4[%swap3A, %swap3A_76, %swap3A_77] : memref<1x512x8xf32, #tpu.memory_space<vmem>>, vector<1x512x8xf32>
    tpu.vector_store %arg4[%swap3A, %swap3A_76, %swap3A_77], %broadcast_in_dim3A_75 {strides = array<i32>} : memref<1x512x8xf32, #tpu.memory_space<vmem>>, vector<1x512x8xf32>,
    %convert_element_type3A = arith.extui %and3A_62 : vector<1x2048xi1> to vector<1x2048xi32>
    %convert_element_type3A_79 = arith.sitofp %convert_element_type3A : vector<1x2048xi32> to vector<1x2048xf32>
    %sub3A_80 = arith.constant 1.000000e+00 : f32
    %sub3A_81 = vector.broadcast %sub3A_80 : f32 to vector<1x2048xf32>
    %sub3A_82 = arith.subf %sub3A_81, %convert_element_type3A_79 : vector<1x2048xf32>
    %scan3A = arith.constant 0 : i32
    %scan3A_83 = arith.constant 0 : i32
    %scan3A_84 = arith.constant 2048 : i32
    %scan3A_85 = arith.addi %scan3A_83, %scan3A_84 : i32
    %scan3A_86 = arith.constant 1 : i32
    %scan3A_87:2 = scf.for %scan3A_89 = %scan3A_83 to %scan3A_85 step %scan3A_86 iter_args(%scan3A_90 = %sub3A_82, %scan3A_91 = %scan3A) -> (vector<1x2048xf32>, i32)  : i32 {
      %eq3A = vector.broadcast %scan3A_89 : i32 to vector<1x2048xi32>
      %eq3A_92 = arith.cmpi eq, %iota3A, %eq3A : vector<1x2048xi32>
      %jit3A_93 = arith.constant 0.000000e+00 : f32
      %broadcast_in_dim3A_94 = vector.broadcast %jit3A_93 : f32 to vector<1x2048xf32>
      %select_n3A = arith.select %eq3A_92, %slice3A_68, %broadcast_in_dim3A_94 : vector<1x2048xi1>, vector<1x2048xf32>
      %reduce_sum3A = vector.shape_cast %select_n3A : vector<1x2048xf32> to vector<1x1x2048xf32>
      %reduce_sum3A_95 = arith.constant dense<0.000000e+00> : vector<1xf32>
      %reduce_sum3A_96 = vector.multi_reduction <add>, %reduce_sum3A, %reduce_sum3A_95 [1, 2] : vector<1x1x2048xf32> to vector<1xf32>
      %reduce_sum3A_97 = vector.shape_cast %reduce_sum3A_96 : vector<1xf32> to vector<1x1x1xf32>
      %reduce_sum3A_98 = vector.extract %reduce_sum3A_97[0, 0, 0] : f32 from vector<1x1x1xf32>
      %eq3A_99 = vector.broadcast %scan3A_89 : i32 to vector<1x2048xi32>
      %eq3A_100 = arith.cmpi eq, %iota3A, %eq3A_99 : vector<1x2048xi32>
      %jit3A_101 = arith.constant 0.000000e+00 : f32
      %broadcast_in_dim3A_102 = vector.broadcast %jit3A_101 : f32 to vector<1x2048xf32>
      %select_n3A_103 = arith.select %eq3A_100, %slice3A_69, %broadcast_in_dim3A_102 : vector<1x2048xi1>, vector<1x2048xf32>
      %reduce_sum3A_104 = vector.shape_cast %select_n3A_103 : vector<1x2048xf32> to vector<1x1x2048xf32>
      %reduce_sum3A_105 = arith.constant dense<0.000000e+00> : vector<1xf32>
      %reduce_sum3A_106 = vector.multi_reduction <add>, %reduce_sum3A_104, %reduce_sum3A_105 [1, 2] : vector<1x1x2048xf32> to vector<1xf32>
      %reduce_sum3A_107 = vector.shape_cast %reduce_sum3A_106 : vector<1xf32> to vector<1x1x1xf32>
      %reduce_sum3A_108 = vector.extract %reduce_sum3A_107[0, 0, 0] : f32 from vector<1x1x1xf32>
      %eq3A_109 = vector.broadcast %scan3A_89 : i32 to vector<1x2048xi32>
      %eq3A_110 = arith.cmpi eq, %iota3A, %eq3A_109 : vector<1x2048xi32>
      %jit3A_111 = arith.constant 0.000000e+00 : f32
      %broadcast_in_dim3A_112 = vector.broadcast %jit3A_111 : f32 to vector<1x2048xf32>
      %select_n3A_113 = arith.select %eq3A_110, %slice3A_70, %broadcast_in_dim3A_112 : vector<1x2048xi1>, vector<1x2048xf32>
      %reduce_sum3A_114 = vector.shape_cast %select_n3A_113 : vector<1x2048xf32> to vector<1x1x2048xf32>
      %reduce_sum3A_115 = arith.constant dense<0.000000e+00> : vector<1xf32>
      %reduce_sum3A_116 = vector.multi_reduction <add>, %reduce_sum3A_114, %reduce_sum3A_115 [1, 2] : vector<1x1x2048xf32> to vector<1xf32>
      %reduce_sum3A_117 = vector.shape_cast %reduce_sum3A_116 : vector<1xf32> to vector<1x1x1xf32>
      %reduce_sum3A_118 = vector.extract %reduce_sum3A_117[0, 0, 0] : f32 from vector<1x1x1xf32>
      %eq3A_119 = vector.broadcast %scan3A_89 : i32 to vector<1x2048xi32>
      %eq3A_120 = arith.cmpi eq, %iota3A, %eq3A_119 : vector<1x2048xi32>
      %jit3A_121 = arith.constant 0.000000e+00 : f32
      %broadcast_in_dim3A_122 = vector.broadcast %jit3A_121 : f32 to vector<1x2048xf32>
      %select_n3A_123 = arith.select %eq3A_120, %slice3A_71, %broadcast_in_dim3A_122 : vector<1x2048xi1>, vector<1x2048xf32>
      %reduce_sum3A_124 = vector.shape_cast %select_n3A_123 : vector<1x2048xf32> to vector<1x1x2048xf32>
      %reduce_sum3A_125 = arith.constant dense<0.000000e+00> : vector<1xf32>
      %reduce_sum3A_126 = vector.multi_reduction <add>, %reduce_sum3A_124, %reduce_sum3A_125 [1, 2] : vector<1x1x2048xf32> to vector<1xf32>
      %reduce_sum3A_127 = vector.shape_cast %reduce_sum3A_126 : vector<1xf32> to vector<1x1x1xf32>
      %reduce_sum3A_128 = vector.extract %reduce_sum3A_127[0, 0, 0] : f32 from vector<1x1x1xf32>
      %eq3A_129 = vector.broadcast %scan3A_89 : i32 to vector<1x2048xi32>
      %eq3A_130 = arith.cmpi eq, %iota3A, %eq3A_129 : vector<1x2048xi32>
      %jit3A_131 = arith.constant 0.000000e+00 : f32
      %broadcast_in_dim3A_132 = vector.broadcast %jit3A_131 : f32 to vector<1x2048xf32>
      %select_n3A_133 = arith.select %eq3A_130, %slice3A_72, %broadcast_in_dim3A_132 : vector<1x2048xi1>, vector<1x2048xf32>
      %reduce_sum3A_134 = vector.shape_cast %select_n3A_133 : vector<1x2048xf32> to vector<1x1x2048xf32>
      %reduce_sum3A_135 = arith.constant dense<0.000000e+00> : vector<1xf32>
      %reduce_sum3A_136 = vector.multi_reduction <add>, %reduce_sum3A_134, %reduce_sum3A_135 [1, 2] : vector<1x1x2048xf32> to vector<1xf32>
      %reduce_sum3A_137 = vector.shape_cast %reduce_sum3A_136 : vector<1xf32> to vector<1x1x1xf32>
      %reduce_sum3A_138 = vector.extract %reduce_sum3A_137[0, 0, 0] : f32 from vector<1x1x1xf32>
      %eq3A_139 = vector.broadcast %scan3A_89 : i32 to vector<1x2048xi32>
      %eq3A_140 = arith.cmpi eq, %iota3A, %eq3A_139 : vector<1x2048xi32>
      %jit3A_141 = arith.constant 0.000000e+00 : f32
      %broadcast_in_dim3A_142 = vector.broadcast %jit3A_141 : f32 to vector<1x2048xf32>
      %select_n3A_143 = arith.select %eq3A_140, %slice3A_73, %broadcast_in_dim3A_142 : vector<1x2048xi1>, vector<1x2048xf32>
      %reduce_sum3A_144 = vector.shape_cast %select_n3A_143 : vector<1x2048xf32> to vector<1x1x2048xf32>
      %reduce_sum3A_145 = arith.constant dense<0.000000e+00> : vector<1xf32>
      %reduce_sum3A_146 = vector.multi_reduction <add>, %reduce_sum3A_144, %reduce_sum3A_145 [1, 2] : vector<1x1x2048xf32> to vector<1xf32>
      %reduce_sum3A_147 = vector.shape_cast %reduce_sum3A_146 : vector<1xf32> to vector<1x1x1xf32>
      %reduce_sum3A_148 = vector.extract %reduce_sum3A_147[0, 0, 0] : f32 from vector<1x1x1xf32>
      %eq3A_149 = vector.broadcast %scan3A_89 : i32 to vector<1x2048xi32>
      %eq3A_150 = arith.cmpi eq, %iota3A, %eq3A_149 : vector<1x2048xi32>
      %jit3A_151 = arith.constant 0.000000e+00 : f32
      %broadcast_in_dim3A_152 = vector.broadcast %jit3A_151 : f32 to vector<1x2048xf32>
      %select_n3A_153 = arith.select %eq3A_150, %mul3A_67, %broadcast_in_dim3A_152 : vector<1x2048xi1>, vector<1x2048xf32>
      %reduce_sum3A_154 = vector.shape_cast %select_n3A_153 : vector<1x2048xf32> to vector<1x1x2048xf32>
      %reduce_sum3A_155 = arith.constant dense<0.000000e+00> : vector<1xf32>
      %reduce_sum3A_156 = vector.multi_reduction <add>, %reduce_sum3A_154, %reduce_sum3A_155 [1, 2] : vector<1x1x2048xf32> to vector<1xf32>
      %reduce_sum3A_157 = vector.shape_cast %reduce_sum3A_156 : vector<1xf32> to vector<1x1x1xf32>
      %reduce_sum3A_158 = vector.extract %reduce_sum3A_157[0, 0, 0] : f32 from vector<1x1x1xf32>
      %eq3A_159 = vector.broadcast %scan3A_89 : i32 to vector<1x2048xi32>
      %eq3A_160 = arith.cmpi eq, %iota3A, %eq3A_159 : vector<1x2048xi32>
      %jit3A_161 = arith.constant 0.000000e+00 : f32
      %broadcast_in_dim3A_162 = vector.broadcast %jit3A_161 : f32 to vector<1x2048xf32>
      %select_n3A_163 = arith.select %eq3A_160, %logistic3A_47, %broadcast_in_dim3A_162 : vector<1x2048xi1>, vector<1x2048xf32>
      %reduce_sum3A_164 = vector.shape_cast %select_n3A_163 : vector<1x2048xf32> to vector<1x1x2048xf32>
      %reduce_sum3A_165 = arith.constant dense<0.000000e+00> : vector<1xf32>
      %reduce_sum3A_166 = vector.multi_reduction <add>, %reduce_sum3A_164, %reduce_sum3A_165 [1, 2] : vector<1x1x2048xf32> to vector<1xf32>
      %reduce_sum3A_167 = vector.shape_cast %reduce_sum3A_166 : vector<1xf32> to vector<1x1x1xf32>
      %reduce_sum3A_168 = vector.extract %reduce_sum3A_167[0, 0, 0] : f32 from vector<1x1x1xf32>
      %eq3A_169 = vector.broadcast %scan3A_89 : i32 to vector<1x2048xi32>
      %eq3A_170 = arith.cmpi eq, %iota3A, %eq3A_169 : vector<1x2048xi32>
      %jit3A_171 = arith.constant 0.000000e+00 : f32
      %broadcast_in_dim3A_172 = vector.broadcast %jit3A_171 : f32 to vector<1x2048xf32>
      %select_n3A_173 = arith.select %eq3A_170, %scan3A_90, %broadcast_in_dim3A_172 : vector<1x2048xi1>, vector<1x2048xf32>
      %reduce_sum3A_174 = vector.shape_cast %select_n3A_173 : vector<1x2048xf32> to vector<1x1x2048xf32>
      %reduce_sum3A_175 = arith.constant dense<0.000000e+00> : vector<1xf32>
      %reduce_sum3A_176 = vector.multi_reduction <add>, %reduce_sum3A_174, %reduce_sum3A_175 [1, 2] : vector<1x1x2048xf32> to vector<1xf32>
      %reduce_sum3A_177 = vector.shape_cast %reduce_sum3A_176 : vector<1xf32> to vector<1x1x1xf32>
      %reduce_sum3A_178 = vector.extract %reduce_sum3A_177[0, 0, 0] : f32 from vector<1x1x1xf32>
      %lt3A = arith.constant 5.000000e-01 : f32
      %lt3A_179 = arith.cmpf olt, %reduce_sum3A_178, %lt3A : f32
      %min3A_180 = vector.broadcast %reduce_sum3A_128 : f32 to vector<1x2048xf32>
      %min3A_181 = arith.minimumf %slice3A_71, %min3A_180 : vector<1x2048xf32>
      %max3A_182 = vector.broadcast %reduce_sum3A_98 : f32 to vector<1x2048xf32>
      %max3A_183 = arith.maximumf %slice3A_68, %max3A_182 : vector<1x2048xf32>
      %sub3A_184 = arith.subf %min3A_181, %max3A_183 : vector<1x2048xf32>
      %max3A_185 = arith.constant 0.000000e+00 : f32
      %max3A_186 = vector.broadcast %max3A_185 : f32 to vector<1x2048xf32>
      %max3A_187 = arith.maximumf %sub3A_184, %max3A_186 : vector<1x2048xf32>
      %min3A_188 = vector.broadcast %reduce_sum3A_138 : f32 to vector<1x2048xf32>
      %min3A_189 = arith.minimumf %slice3A_72, %min3A_188 : vector<1x2048xf32>
      %max3A_190 = vector.broadcast %reduce_sum3A_108 : f32 to vector<1x2048xf32>
      %max3A_191 = arith.maximumf %slice3A_69, %max3A_190 : vector<1x2048xf32>
      %sub3A_192 = arith.subf %min3A_189, %max3A_191 : vector<1x2048xf32>
      %max3A_193 = arith.constant 0.000000e+00 : f32
      %max3A_194 = vector.broadcast %max3A_193 : f32 to vector<1x2048xf32>
      %max3A_195 = arith.maximumf %sub3A_192, %max3A_194 : vector<1x2048xf32>
      %min3A_196 = vector.broadcast %reduce_sum3A_148 : f32 to vector<1x2048xf32>
      %min3A_197 = arith.minimumf %slice3A_73, %min3A_196 : vector<1x2048xf32>
      %max3A_198 = vector.broadcast %reduce_sum3A_118 : f32 to vector<1x2048xf32>
      %max3A_199 = arith.maximumf %slice3A_70, %max3A_198 : vector<1x2048xf32>
      %sub3A_200 = arith.subf %min3A_197, %max3A_199 : vector<1x2048xf32>
      %max3A_201 = arith.constant 0.000000e+00 : f32
      %max3A_202 = vector.broadcast %max3A_201 : f32 to vector<1x2048xf32>
      %max3A_203 = arith.maximumf %sub3A_200, %max3A_202 : vector<1x2048xf32>
      %mul3A_204 = arith.mulf %max3A_187, %max3A_195 : vector<1x2048xf32>
      %mul3A_205 = arith.mulf %mul3A_204, %max3A_203 : vector<1x2048xf32>
      %add3A_206 = vector.broadcast %reduce_sum3A_158 : f32 to vector<1x2048xf32>
      %add3A_207 = arith.addf %mul3A_67, %add3A_206 : vector<1x2048xf32>
      %sub3A_208 = arith.subf %add3A_207, %mul3A_205 : vector<1x2048xf32>
      %add3A_209 = arith.constant 9.99999971E-10 : f32
      %add3A_210 = vector.broadcast %add3A_209 : f32 to vector<1x2048xf32>
      %add3A_211 = arith.addf %sub3A_208, %add3A_210 : vector<1x2048xf32>
      %div3A = arith.divf %mul3A_205, %add3A_211 : vector<1x2048xf32>
      %gt3A_212 = arith.constant 0.699999988 : f32
      %gt3A_213 = vector.broadcast %gt3A_212 : f32 to vector<1x2048xf32>
      %gt3A_214 = arith.cmpf ogt, %div3A, %gt3A_213 : vector<1x2048xf32>
      %gt3A_215 = vector.broadcast %scan3A_89 : i32 to vector<1x2048xi32>
      %gt3A_216 = arith.cmpi sgt, %iota3A, %gt3A_215 : vector<1x2048xi32>
      %and3A_217 = arith.andi %gt3A_214, %gt3A_216 : vector<1x2048xi1>
      %convert_element_type3A_218 = arith.extui %and3A_217 : vector<1x2048xi1> to vector<1x2048xi32>
      %convert_element_type3A_219 = arith.sitofp %convert_element_type3A_218 : vector<1x2048xi32> to vector<1x2048xf32>
      %max3A_220 = arith.maximumf %scan3A_90, %convert_element_type3A_219 : vector<1x2048xf32>
      %select_n3A_221 = arith.select %lt3A_179, %max3A_220, %scan3A_90 : vector<1x2048xf32>
      %lt3A_222 = arith.constant 512 : i32
      %lt3A_223 = arith.cmpi slt, %scan3A_91, %lt3A_222 : i32
      %and3A_224 = arith.andi %lt3A_179, %lt3A_223 : i1
      %convert_element_type3A_225 = arith.extui %and3A_224 : i1 to i32
      %cond3A = arith.constant 0 : i32
      %cond3A_226 = arith.cmpi ne, %convert_element_type3A_225, %cond3A : i32
      scf.if %cond3A_226 {
        %eq3A_231 = arith.constant 0 : i32
        %eq3A_232 = vector.broadcast %eq3A_231 : i32 to vector<1x8xi32>
        %eq3A_233 = arith.cmpi eq, %iota3A_74, %eq3A_232 : vector<1x8xi32>
        %eq3A_234 = arith.constant 1 : i32
        %eq3A_235 = vector.broadcast %eq3A_234 : i32 to vector<1x8xi32>
        %eq3A_236 = arith.cmpi eq, %iota3A_74, %eq3A_235 : vector<1x8xi32>
        %eq3A_237 = arith.constant 2 : i32
        %eq3A_238 = vector.broadcast %eq3A_237 : i32 to vector<1x8xi32>
        %eq3A_239 = arith.cmpi eq, %iota3A_74, %eq3A_238 : vector<1x8xi32>
        %eq3A_240 = arith.constant 3 : i32
        %eq3A_241 = vector.broadcast %eq3A_240 : i32 to vector<1x8xi32>
        %eq3A_242 = arith.cmpi eq, %iota3A_74, %eq3A_241 : vector<1x8xi32>
        %eq3A_243 = arith.constant 4 : i32
        %eq3A_244 = vector.broadcast %eq3A_243 : i32 to vector<1x8xi32>
        %eq3A_245 = arith.cmpi eq, %iota3A_74, %eq3A_244 : vector<1x8xi32>
        %eq3A_246 = arith.constant 5 : i32
        %eq3A_247 = vector.broadcast %eq3A_246 : i32 to vector<1x8xi32>
        %eq3A_248 = arith.cmpi eq, %iota3A_74, %eq3A_247 : vector<1x8xi32>
        %eq3A_249 = arith.constant 6 : i32
        %eq3A_250 = vector.broadcast %eq3A_249 : i32 to vector<1x8xi32>
        %eq3A_251 = arith.cmpi eq, %iota3A_74, %eq3A_250 : vector<1x8xi32>
        %jit3A_252 = arith.constant 0.000000e+00 : f32
        %broadcast_in_dim3A_253 = vector.broadcast %reduce_sum3A_168 : f32 to vector<1x8xf32>
        %broadcast_in_dim3A_254 = vector.broadcast %jit3A_252 : f32 to vector<1x8xf32>
        %select_n3A_255 = arith.select %eq3A_251, %broadcast_in_dim3A_253, %broadcast_in_dim3A_254 : vector<1x8xi1>, vector<1x8xf32>
        %broadcast_in_dim3A_256 = vector.broadcast %reduce_sum3A_148 : f32 to vector<1x8xf32>
        %select_n3A_257 = arith.select %eq3A_248, %broadcast_in_dim3A_256, %select_n3A_255 : vector<1x8xi1>, vector<1x8xf32>
        %broadcast_in_dim3A_258 = vector.broadcast %reduce_sum3A_138 : f32 to vector<1x8xf32>
        %select_n3A_259 = arith.select %eq3A_245, %broadcast_in_dim3A_258, %select_n3A_257 : vector<1x8xi1>, vector<1x8xf32>
        %broadcast_in_dim3A_260 = vector.broadcast %reduce_sum3A_128 : f32 to vector<1x8xf32>
        %select_n3A_261 = arith.select %eq3A_242, %broadcast_in_dim3A_260, %select_n3A_259 : vector<1x8xi1>, vector<1x8xf32>
        %broadcast_in_dim3A_262 = vector.broadcast %reduce_sum3A_118 : f32 to vector<1x8xf32>
        %select_n3A_263 = arith.select %eq3A_239, %broadcast_in_dim3A_262, %select_n3A_261 : vector<1x8xi1>, vector<1x8xf32>
        %broadcast_in_dim3A_264 = vector.broadcast %reduce_sum3A_108 : f32 to vector<1x8xf32>
        %select_n3A_265 = arith.select %eq3A_236, %broadcast_in_dim3A_264, %select_n3A_263 : vector<1x8xi1>, vector<1x8xf32>
        %broadcast_in_dim3A_266 = vector.broadcast %reduce_sum3A_98 : f32 to vector<1x8xf32>
        %select_n3A_267 = arith.select %eq3A_233, %broadcast_in_dim3A_266, %select_n3A_265 : vector<1x8xi1>, vector<1x8xf32>
        %swap3A_268 = arith.constant 0 : index
        %swap3A_269 = arith.index_cast %scan3A_91 : i32 to index
        %swap3A_270 = arith.constant 0 : index
        %swap3A_271 = vector.load %arg4[%swap3A_268, %swap3A_269, %swap3A_270] : memref<1x512x8xf32, #tpu.memory_space<vmem>>, vector<1x1x8xf32>
        %swap3A_272 = vector.shape_cast %swap3A_271 : vector<1x1x8xf32> to vector<1x8xf32>
        %swap3A_273 = vector.shape_cast %select_n3A_267 : vector<1x8xf32> to vector<1x1x8xf32>
        tpu.vector_store %arg4[%swap3A_268, %swap3A_269, %swap3A_270], %swap3A_273 {strides = array<i32>} : memref<1x512x8xf32, #tpu.memory_space<vmem>>, vector<1x1x8xf32>,
      } else {
      }
      %jit3A_227 = arith.constant 1 : i32
      %jit3A_228 = arith.constant 0 : i32
      %select_n3A_229 = arith.select %and3A_224, %jit3A_227, %jit3A_228 : i32
      %add3A_230 = arith.addi %scan3A_91, %select_n3A_229 : i32
      scf.yield %select_n3A_221, %add3A_230 : vector<1x2048xf32>, i32
    }
    %scan3A_88 = arith.constant 2048 : i32
    return
  }
  func.func @transform_0(%arg0: i32) -> (i32, i32, i32) {
    %c0_i32 = arith.constant 0 : i32
    %c0_i32_0 = arith.constant 0 : i32
    %c0_i32_1 = arith.constant 0 : i32
    return %arg0, %c0_i32, %c0_i32_0 : i32, i32, i32
  }
  func.func @transform_1(%arg0: i32) -> (i32, i32, i32) {
    %c0_i32 = arith.constant 0 : i32
    %c0_i32_0 = arith.constant 0 : i32
    %c0_i32_1 = arith.constant 0 : i32
    return %arg0, %c0_i32, %c0_i32_0 : i32, i32, i32
  }
  func.func @transform_2(%arg0: i32) -> (i32, i32, i32) {
    %c0_i32 = arith.constant 0 : i32
    %c0_i32_0 = arith.constant 0 : i32
    %c0_i32_1 = arith.constant 0 : i32
    return %arg0, %c0_i32, %c0_i32_0 : i32, i32, i32
  }
  func.func @transform_3(%arg0: i32) -> (i32, i32, i32) {
    %c0_i32 = arith.constant 0 : i32
    %c0_i32_0 = arith.constant 0 : i32
    %c0_i32_1 = arith.constant 0 : i32
    return %arg0, %c0_i32, %c0_i32_0 : i32, i32, i32
  }
}

</mosaic_0001>

<sc_bundles>
// kernel: gather_offload_async_start.1
scs
__scs_entry_jumppad:
0x0: {  	(pc) =	sbr.rel $0x88, $3  }
0x1: {  	(tag) =	ssettag $0x0;
	lr =	simm.s32 $0x1  }
0x2: {  	[smem:$0x3F9E] =	sst lr;
	_ =	strace $0xD0000000  }
0x3: {  	_ = 	snop  }
0x4: {  	_ = 	snop  }
0x5: {  	_ = 	snop  }
0x6: {  	_ = 	snop  }
0x7: {  	_ = 	snop  }
__scs_overlays_trampoline_lowered:
0x8: {  	[smem:$0x3FAD] =	sst s0  }
0x9: {  	[smem:$0x3FAE] =	sst s1  }
0xa: {  	[smem:$0x3FAF] =	sst s2  }
0xb: {  	[smem:$0x3FB0] =	sst s3  }
0xc: {  	[smem:$0x3FB1] =	sst s4  }
0xd: {  	[smem:$0x3FB2] =	sst s5  }
0xe: {  	[smem:$0x3FB3] =	sst s6  }
0xf: {  	[smem:$0x3FB4] =	sst s7  }
0x10: {  	[smem:$0x3FB5] =	sst s8  }
0x11: {  	[smem:$0x3FB6] =	sst s9;
	s0 =	simm.s32 @!p0 $0x0  }
0x12: {  	s1 =	sld [smem:$0x3F9C];
	s0 =	simm.s32 @p0 $0x1  }
0x13: {  	[smem:$0x3FB7] =	sst s0;
	s0 =	simm.s32 @!p1 $0x0  }
0x14: {  	s2 =	sld [smem:$0x3F9B];
	s0 =	simm.s32 @p1 $0x1  }
0x15: {  	[smem:$0x3FB8] =	sst s0;
	s0 =	simm.s32 @!p2 $0x0  }
0x16: {  	s3 =	sld [smem:$0x3FDB];
	s0 =	simm.s32 @p2 $0x1  }
0x17: {  	s4 =	simm.s32 $0x1BF5;
	[smem:$0x3FBA] =	sst s0  }
0x18: {  	s0 =	sld [smem:$0x3F9D];
	_ =	swait.ge [sflag:s4], $0x0  }
0x19: {  	s7 =	sld [smem:$0x3F9E]  }
0x1a: {  	s8 =	sadd.s32 $0xFFFFE003, lr  }
0x1b: {  	s9 =	sadd.s32 $0xFFFFFEF7, lr;
	s5 =	simm.s32 $0xFFFFFFFF;
	p2 =	slt.u32 s8, $0xFFFFF086  }
0x1c: {  	p1 =	slt.u32 s9, $0xF7A;
	s5 =	simm.s32 @!p2 $0x0  }
0x1d: {  	s5 =	simm.s32 @p1 $0x1;
	p0 =	seq.s32 s7, s2  }
0x1e: {  	s7 =	smul.u32 @!p0 $0xF7A, s2;
	p2 =	seq.s32 @!p0 s5, $0x0  }
0x1f: {  	s9 =	smul.u32 $0xF7A, s1;
	s8 =	simm.s32 @!p0 $0x1BF5;
	p2 =	por !p2, p0  }
0x20: {  	[sflag:s8] =	ssyncset.s32 @!p0 $0xFFFFF086;
	s6 =	sadd.s32 @!p0 s3, s7;
	s7 =	simm.s32 @!p0 $0x108  }
0x21: {  	s3 =	sadd.s32 s3, s9;
	s6 =	sadd.s32 @!p0 $0x88, s6;
	s7 =	simm.s32 @p2 $0x1082  }
0x22: {  	[simem:s7], [sflag:s8] =	dma.local @!p0 [hbm:s6], $0xF7A  }
0x23: {  	s9 =	sor.u32 $0xD0000000, s2;
	s6 =	simm.s32 $0x108;
	_ =	swait.ge @!p0 [sflag:s8], $0x0  }
0x24: {  	s3 =	sadd.s32 $0x88, s3;
	s6 =	simm.s32 @!p1 $0x1082;
	[sflag:s4] =	ssyncset.s32 $0xFFFFF086  }
0x25: {  	[simem:s6], [sflag:s4] =	dma.local [hbm:s3], $0xF7A  }
0x26: {  	[smem:$0x3F9E] =	sst s1;
	(tag) =	ssettag s2;
	_ =	strace s9  }
0x27: {  	s1 =	sld [smem:$0x3FAE]  }
0x28: {  	s2 =	sld [smem:$0x3FAF]  }
0x29: {  	s4 =	sld [smem:$0x3FB1]  }
0x2a: {  	p0 =	seq.s32 s5, $0x0;
	s5 =	sld [smem:$0x3FB2]  }
0x2b: {  	s6 =	sld [smem:$0x3FB3]  }
0x2c: {  	s7 =	sld [smem:$0x3FB4]  }
0x2d: {  	s3 =	simm.s32 $0x108;
	s8 =	sld [smem:$0x3FB5]  }
0x2e: {  	s3 =	simm.s32 @!p0 $0x1082;
	s9 =	sld [smem:$0x3FB6]  }
0x2f: {  	lr =	sadd.s32 s0, s3;
	s0 =	sld [smem:$0x3FAD]  }
0x30: {  	s3 =	sld [smem:$0x3FB0]  }
0x31: {  	[smem:$0x3FB9] =	sst s10  }
0x32: {  	s10 =	sld [smem:$0x3FB7];
	_ =	sdelay $0x3  }
0x33: {  	p0 =	seq.s32 s10, $0x1;
	s10 =	sld [smem:$0x3FB9];
	_ =	sdelay $0x3  }
0x34: {  	[smem:$0x3FB9] =	sst s10  }
0x35: {  	s10 =	sld [smem:$0x3FB8];
	_ =	sdelay $0x3  }
0x36: {  	p1 =	seq.s32 s10, $0x1;
	s10 =	sld [smem:$0x3FB9];
	_ =	sdelay $0x3  }
0x37: {  	[smem:$0x3FB9] =	sst s10  }
0x38: {  	s10 =	sld [smem:$0x3FBA]  }
0x39: {  	_ = 	snop;
	(pc) =	sbr.ind lr, $3  }
0x3a: {  	_ = 	snop  }
0x3b: {  	_ = 	snop  }
0x3c: {  	p2 =	seq.s32 s10, $0x1;
	s10 =	sld [smem:$0x3FB9]  }
0x3d: {  	_ =	shalt  }
0x3e: {  	_ =	shalt  }
0x3f: {  	_ =	shalt  }
0x40: {  	_ =	shalt  }
0x41: {  	_ =	shalt  }
0x42: {  	_ =	shalt  }
0x43: {  	_ =	shalt  }
0x44: {  	_ =	shalt  }
0x45: {  	_ =	shalt  }
0x46: {  	_ =	shalt  }
0x47: {  	_ =	shalt  }
0x48: {  	_ =	shalt  }
0x49: {  	_ =	shalt  }
0x4a: {  	_ =	shalt  }
0x4b: {  	_ =	shalt  }
0x4c: {  	_ =	shalt  }
0x4d: {  	_ =	shalt  }
0x4e: {  	_ =	shalt  }
0x4f: {  	_ =	shalt  }
0x50: {  	_ =	shalt  }
0x51: {  	_ =	shalt  }
0x52: {  	_ =	shalt  }
0x53: {  	_ =	shalt  }
0x54: {  	_ =	shalt  }
0x55: {  	_ =	shalt  }
0x56: {  	_ =	shalt  }
0x57: {  	_ =	shalt  }
0x58: {  	_ =	shalt  }
0x59: {  	_ =	shalt  }
0x5a: {  	_ =	shalt  }
0x5b: {  	_ =	shalt  }
0x5c: {  	_ =	shalt  }
0x5d: {  	_ =	shalt  }
0x5e: {  	_ =	shalt  }
0x5f: {  	_ =	shalt  }
0x60: {  	_ =	shalt  }
0x61: {  	_ =	shalt  }
0x62: {  	_ =	shalt  }
0x63: {  	_ =	shalt  }
0x64: {  	_ =	shalt  }
0x65: {  	_ =	shalt  }
0x66: {  	_ =	shalt  }
0x67: {  	_ =	shalt  }
0x68: {  	_ =	shalt  }
0x69: {  	_ =	shalt  }
0x6a: {  	_ =	shalt  }
0x6b: {  	_ =	shalt  }
0x6c: {  	_ =	shalt  }
0x6d: {  	_ =	shalt  }
0x6e: {  	_ =	shalt  }
0x6f: {  	_ =	shalt  }
0x70: {  	_ =	shalt  }
0x71: {  	_ =	shalt  }
0x72: {  	_ =	shalt  }
0x73: {  	_ =	shalt  }
0x74: {  	_ =	shalt  }
0x75: {  	_ =	shalt  }
0x76: {  	_ =	shalt  }
0x77: {  	_ =	shalt  }
0x78: {  	_ =	shalt  }
0x79: {  	_ =	shalt  }
0x7a: {  	_ =	shalt  }
0x7b: {  	_ =	shalt  }
0x7c: {  	_ =	shalt  }
0x7d: {  	_ =	shalt  }
0x7e: {  	_ =	shalt  }
0x7f: {  	_ =	shalt  }
0x80: {  	_ =	shalt  }
0x81: {  	_ =	shalt  }
0x82: {  	_ =	shalt  }
0x83: {  	_ =	shalt  }
0x84: {  	_ =	shalt  }
0x85: {  	_ =	shalt  }
0x86: {  	_ =	shalt  }
0x87: {  	_ =	shalt  }
.Lfunc_end0:
.L_simem_size_0:
called_computation.1_lowered:
.L_overlay_start_0:
0x88: {  	s2 =	sld [smem:$0x3FD9]  }
0x89: {  	s3 =	sld [smem:$0x3FFE];
	_ =	sdelay $0x1  }
0x8a: {  	s1 =	srdreg.scid  }
0x8b: {  	s0 =	sand.u32 $0x1, s1  }
0x8c: {  	s17 =	sshll.u32 s0, $0xA;
	s2 =	sadd.s32 s3, s2  }
0x8d: {  	s2 =	sadd.s32 s2, s17  }
0x8e: {  	[smem:$0x3FC5] =	sst s2  }
0x8f: {  	_ = 	snop  }
0x90: {  	(tm) =	ssettm $0x1  }
0x91: {  	s18 =	sld [smem:$0x3FFB];
	_ =	sdelay $0x3  }
0x92: {  	_ =	strace s18  }
0x93: {  	s2 =	sld [smem:$0x3FFC];
	_ =	sdelay $0x3  }
0x94: {  	_ =	strace s2  }
0x95: {  	s2 =	sld [smem:$0x3FFD];
	_ =	sdelay $0x3  }
0x96: {  	_ =	strace s2  }
0x97: {  	_ =	strace $0x8FFFFFFF  }
0x98: {  	s19 =	sld [smem:$0x3FDB];
	_ =	sdelay $0x1  }
0x99: {  	s20 =	simm.s32 $_scs_section_size  }
0x9a: {  	s4 =	simm.s32 $_size__tile_overlayer_lowered;
	s5 =	simm.s32 $_tile_overlayer_lowered  }
0x9b: {  	s6 =	simm.s32 $0x1BFF;
	s21 =	sshll.u32 s5, $0x1;
	s3 =	sadd.s32 s20, s19  }
0x9c: {  	s22 =	simm.s32 $0x0;
	s4 =	sshll.u32 s4, $0x1;
	s5 =	sadd.s32 s21, s3  }
0x9d: {  	[timem:s22], [sflag:s6] =	dma.local [hbm:s5], s4  }
0x9e: {  	_ =	swait.ge [sflag:s6], s4  }
0x9f: {  	s4 =	ssub.s32 $0x0, s4;
	[sflag:s6] =	ssyncset.done $0x0  }
0xa0: {  	[sflag:s6] =	ssyncadd.s32 s4;
	_ =	sdelay $0x1  }
0xa1: {  	s23 =	simm.s32 $0x1B8B  }
0xa2: {  	_ =	swait.ge [sflag:s23], $0x1  }
0xa3: {  	[sflag:s23] =	ssyncset.done $0x0  }
0xa4: {  	[sflag:s23] =	ssyncadd.s32 $0xFFFFFFFF  }
0xa5: {  	s4 =	sld [smem:$0x0]  }
0xa6: {  	s5 =	sand.u32 $0xFFFFFFFE, s1  }
0xa7: {  	p0 =	sne.s32 s1, s5  }
0xa8: {  	s5 =	sshll.u32 @p0 s5, $0xE  }
0xa9: {  	s5 =	sadd.s32 @p0 $0x11B8D, s5;
	s6 =	sshll.u32 @p0 s4, $0x11  }
0xaa: {  	s5 =	sor.u32 @p0 s6, s5  }
0xab: {  	[sflag:s5] =	ssyncadd.remote.s32 @p0 $0x1;
	_ =	sdelay $0x1  }
0xac: {  	s5 =	simm.s32 @p0 $0x1B8D  }
0xad: {  	_ =	swait.eq @p0 [sflag:s5], $0x1  }
0xae: {  	[sflag:s5] =	ssyncadd.s32 @p0 $0xFFFFFFFF  }
0xaf: {  	s6 =	sshll.u32 @!p0 s1, $0xE  }
0xb0: {  	s6 =	sor.u32 @!p0 $0x4000, s6;
	s5 =	simm.s32 @!p0 $0x1B8D  }
0xb1: {  	s4 =	sshll.u32 @!p0 s4, $0x11;
	s6 =	sadd.s32 @!p0 $0x11B8D, s6;
	_ =	swait.eq @!p0 [sflag:s5], $0x1  }
0xb2: {  	s4 =	sor.u32 @!p0 s4, s6;
	[sflag:s5] =	ssyncadd.s32 @!p0 $0xFFFFFFFF  }
0xb3: {  	s25 =	simm.s32 $0x1B8E;
	s24 =	sld [smem:$0x3FFE];
	[sflag:s4] =	ssyncadd.remote.s32 @!p0 $0x1  }
0xb4: {  	s26 =	simm.s32 $execute0_lowered;
	[smem:$0x3FD2] =	sst s25  }
0xb5: {  	s5 =	sshll.u32 s26, $0x1;
	_ =	strace $0x80000049;
	[dreg:$0x1] =	wrdreg $0xFFFFFFFF  }
0xb6: {  	s28 =	simm.s32 $_size_execute0_lowered;
	s3 =	sadd.s32 s3, s5;
	[dreg:$0x0] =	wrdreg $0x0  }
0xb7: {  	s5 =	sshll.u32 s28, $0x1;
	[dreg:$0x2] =	wrdreg s3  }
0xb8: {  	[dreg:$0x3] =	wrdreg s5  }
0xb9: {  	[dreg:$0x4] =	wrdreg $0xC0  }
0xba: {  	_ =	task [dreg:s22], $0x5FFFF  }
0xbb: {  	[dreg:$0x1] =	wrdreg $0xFFFFFFFF  }
0xbc: {  	[dreg:$0x0] =	wrdreg $0x60  }
0xbd: {  	[dreg:$0x2] =	wrdreg s24  }
0xbe: {  	[dreg:$0x3] =	wrdreg $0xA  }
0xbf: {  	_ =	task.clear_ibuf [dreg:s22], $0x4FFFF;
	_ =	strace $0x90000049  }
0xc0: {  	s29 =	simm.s32 $0xA;
	_ =	strace $0x8000004B  }
0xc1: {  	_ =	swait.ge [sflag:s29], $0x1  }
0xc2: {  	[sflag:s29] =	ssyncadd.s32 $0xFFFFFFFF  }
0xc3: {  	_ =	strace $0x9000004B  }
0xc4: {  	_ =	sfence  }
0xc5: {  	s30 =	sld [smem:$0x0];
	_ =	sdelay $0x2  }
0xc6: {  	s31 =	sshll.u32 s1, $0xD;
	s1 =	sshrl.u32 s1, $0x2  }
0xc7: {  	s4 =	sand.u32 $0x4000, s31;
	s1 =	sadd.s32 s1, s30  }
0xc8: {  	s0 =	sor.u32 s4, s0;
	s1 =	sshll.u32 s1, $0x11  }
0xc9: {  	s0 =	sor.u32 s1, s0  }
0xca: {  	s0 =	sadd.s32 $0x8F2B, s0  }
0xcb: {  	[sflag:s0] =	ssyncadd.remote.s32 $0x1  }
0xcc: {  	_ =	sfence.sel $0xFFFF  }
0xcd: {  	[dreg:$0x0] =	wrdreg $0xFFFFFFFF;
	(pc) =	sbr.abs _section_cstart, $3  }
0xce: {  	[dreg:$0x1] =	wrdreg $0xFFFFFFFF  }
0xcf: {  	_ =	task.clear_ibuf [dreg:s22], $0x2FFFF;
	_ =	strace $0x9FFFFFFF  }
0xd0: {  	(tm) =	ssettm $0x7FFFFFFF  }
0xd1: {  	_ =	shalt  }
tec
execute0_lowered:
.L_overlay_start_1:
0x0: {  	(tag) =	ssettag $0x1  }
0x1: {  	s7 =	rddreg [dreg:$0x0]  }
0x2: {  	s0 =	rddreg [dreg:$0x1];
	_ =	strace $0x8000004A  }
0x3: {  	s1 =	srdreg.scid;
	s4 =	simm.s32 $0x1;
	s9 =	simm.s32 $0x3  }
0x4: {  	s12 =	simm.s32 $0x0;
	s10 =	simm.s32 $0x0;
	s5 =	sshll.u32 s1, $0x4  }
.Ltmp0:
0x5: {  	s1 =	stileid.u32;
	s5 =	sand.u32 $0x10, s5;
	(pc) =	sbr.rel .LBB2_1-.Ltmp0, $4  }
0x6: {  	s2 =	sadd.s32 $0x19C200, s7;
	s3 =	sadd.s32 $0x19C000, s7;
	s6 =	sor.u32 s1, s5  }
0x7: {  	[sflag:s4] =	ssyncpa.u1 $0x0;
	s5 =	simm.s32 $0x2;
	s6 =	sshll.u32 s6, $0x7  }
0x8: {  	s7 =	sadd.s32 $0x49C200, s7;
	[sflag:s5] =	ssyncpa.u1 $0x0;
	s8 =	sadd.s32 $0x80, s6  }
0x9: {  	v0 =	vimm.s32 $0x0;
	vm0 =	vmmov $0xff;
	vm1 =	vcmask $0x3F20;
	[sflag:s9] =	ssyncpa.u1 $0x0;
	s9 =	simm.s32 $0x80;
	s11 =	smov.u32 s6  }
.LBB2_9:
0xa: {  	p0 =	seq.s32 s10, $0x2  }
.Ltmp1:
0xb: {  	_ = 	snop;
	(pc) =	sbr.rel @p0 .LBB2_11-.Ltmp1, $1  }
0xc: {  	_ =	sdelay $0x3  }
.LBB2_10:
0xd: {  	s12 =	sadd.s32 $0x80, s11  }
0xe: {  	s13 =	smov.u32 s6;
	p0 =	slt.s32 s12, s8  }
0xf: {  	s13 =	smov.u32 @p0 s12  }
0x10: {  	s10 =	sadd.s32 $0x1, s10;
	s12 =	smov.u32 s11;
	s11 =	smov.u32 s13  }
.LBB2_1:
0x11: {  	p0 =	sne.s32 s10, $0x0  }
.Ltmp2:
0x12: {  	_ = 	snop;
	(pc) =	sbr.rel @!p0 .LBB2_2-.Ltmp2, $1  }
0x13: {  	_ =	sdelay $0x3  }
0x14: {  	s13 =	sand.u32 $0x1, s10  }
0x15: {  	p0 =	seq.s32 s13, $0x0  }
.Ltmp3:
0x16: {  	_ = 	snop;
	(pc) =	sbr.rel @p0 .LBB2_9-.Ltmp3, $1  }
0x17: {  	_ =	sdelay $0x3  }
0x18: {  	_ =	swait.ge [sflag:s5], $0x80  }
0x19: {  	[sflag:s5] =	ssyncset.done $0x0  }
0x1a: {  	s13 =	simm.s32 $0x0;
	[sflag:s5] =	ssyncadd.s32 $0xFFFFFF80  }
0x1b: {  	v1 =	vld.msk [tilespmem:s13+$0x80 ss:$0x1], $0xffff;
	_ =	sdelay $0x4  }
0x1c: {  	v2 =	vand.u32 $0x1, v1;
	v3 =	vshll.u32 v1, $0x6  }
0x1d: {  	vm2 =	veq.s32 v1, $0x80000000;
	vm3 =	veq.s32 v2, $0x1;
	v1 =	vand.u32 $0xFFFF80, v3  }
0x1e: {  	v2 =	vsel vm3, $0xC00000, v0;
	v1 =	vsel vm2, $0xFFFFFF80, v1  }
0x1f: {  	v2 =	vsel vm2, $0xFF400000, v2;
	v3 =	vand.u32 $0xFFFFFC00, v1  }
0x20: {  	v1 =	vand.u32 $0x380, v1;
	v2 =	vadd.s32 v2, v3  }
0x21: {  	v1 =	vor.u32 v1, v2  }
0x22: {  	v1 =	vshrl.u32 v1, $0x3;
	_ =	sdelay $0x3  }
0x23: {  	s13 =	simm.s32 $0x4100  }
0x24: {  	[tilespmem:s13], [sflag:$0x1] =	stream.indirect_vreg.gather [hbm:s2], $0x80, v1, vm0, $0x38;
	[tilespmem:$0x8100] =	vst v63  }
0x25: {  	s14 =	simm.s32 $0x4500;
	s31 =	simm.s32 $0x10  }
0x26: {  	[tilespmem:s14], [sflag:$0x1] =	stream.indirect_vreg.gather [hbm:s2], $0x80, v1, vm1, $0x38;
	[tilespmem:$0x8100] =	vst v63  }
0x27: {  	s14 =	simm.s32 $0x80;
	v1 =	vld.msk [tilespmem:s31+$0x80 ss:$0x1], $0xffff  }
.LBB2_5:
0x28: {  	p0 =	sne.s32 s14, $0x1C0;
	_ =	sdelay $0x4  }
0x29: {  	v2 =	vand.u32 $0x1, v1;
	v3 =	vshll.u32 v1, $0x6  }
0x2a: {  	vm2 =	veq.s32 v1, $0x80000000;
	vm3 =	veq.s32 v2, $0x1;
	v1 =	vand.u32 $0xFFFF80, v3  }
0x2b: {  	v2 =	vsel vm3, $0xC00000, v0;
	v1 =	vsel vm2, $0xFFFFFF80, v1  }
0x2c: {  	v2 =	vsel vm2, $0xFF400000, v2;
	v3 =	vand.u32 $0xFFFFFC00, v1  }
0x2d: {  	v1 =	vand.u32 $0x380, v1;
	v2 =	vadd.s32 v2, v3  }
0x2e: {  	v1 =	vor.u32 v1, v2  }
0x2f: {  	v1 =	vshrl.u32 v1, $0x3;
	_ =	sdelay $0x3  }
.Ltmp4:
0x30: {  	s13 =	sadd.s32 $0x800, s13;
	(pc) =	sbr.rel @p0 .LBB2_5-.Ltmp4, $4  }
0x31: {  	[tilespmem:s13], [sflag:$0x1] =	stream.indirect_vreg.gather [hbm:s2], $0x80, v1, vm0, $0x38;
	[tilespmem:$0x8100] =	vst v63  }
0x32: {  	s15 =	sshra.s32 s14, $0x2;
	s16 =	sadd.s32 $0x400, s13  }
0x33: {  	[tilespmem:s16], [sflag:$0x1] =	stream.indirect_vreg.gather [hbm:s2], $0x80, v1, vm1, $0x38;
	[tilespmem:$0x8100] =	vst v63  }
0x34: {  	s14 =	sadd.s32 $0x40, s14;
	v1 =	vld.msk [tilespmem:s15+$0x80 ss:$0x1], $0xffff  }
0x35: {  	_ =	sdelay $0x3  }
0x36: {  	v2 =	vand.u32 $0x1, v1;
	v3 =	vshll.u32 v1, $0x6  }
0x37: {  	vm2 =	veq.s32 v1, $0x80000000;
	vm3 =	veq.s32 v2, $0x1;
	v1 =	vand.u32 $0xFFFF80, v3  }
0x38: {  	v2 =	vsel vm3, $0xC00000, v0;
	v1 =	vsel vm2, $0xFFFFFF80, v1  }
0x39: {  	v2 =	vsel vm2, $0xFF400000, v2;
	v3 =	vand.u32 $0xFFFFFC00, v1  }
0x3a: {  	v1 =	vand.u32 $0x380, v1;
	v2 =	vadd.s32 v2, v3  }
0x3b: {  	v1 =	vor.u32 v1, v2  }
0x3c: {  	v1 =	vshrl.u32 v1, $0x3;
	_ =	sdelay $0x3  }
0x3d: {  	s13 =	sadd.s32 $0x800, s13  }
0x3e: {  	[tilespmem:s13], [sflag:$0x1] =	stream.indirect_vreg.gather [hbm:s2], $0x80, v1, vm0, $0x38;
	[tilespmem:$0x8100] =	vst v63  }
0x3f: {  	s13 =	sadd.s32 $0x400, s13  }
0x40: {  	[tilespmem:s13], [sflag:$0x1] =	stream.indirect_vreg.gather [hbm:s2], $0x80, v1, vm1, $0x38;
	[tilespmem:$0x8100] =	vst v63  }
0x41: {  	s12 =	sshll.u32 s12, $0x4;
	s14 =	simm.s32 $0x80;
	_ =	swait.ge [sflag:s4], $0x4000  }
0x42: {  	s15 =	simm.s32 $0x4500;
	s12 =	sadd.s32 s12, s7;
	[sflag:s4] =	ssyncset.done $0x0  }
0x43: {  	s16 =	sadd.s32 $0x0, s12;
	s13 =	simm.s32 $0x4100;
	[sflag:s4] =	ssyncadd.s32 $0xFFFFC000  }
.LBB2_7:
0x44: {  	[hbm:s16] =	stream.linear.scatter [tilespmem:s13], [sflag:$0x3], $0x400, $0x38;
	[tilespmem:$0x8100] =	vst v63  }
0x45: {  	s16 =	smov.u32 s14;
	s13 =	smov.u32 s15;
	p0 =	sne.s32 s14, $0x780  }
.Ltmp5:
0x46: {  	s14 =	sadd.s32 $0x80, s14;
	(pc) =	sbr.rel @p0 .LBB2_7-.Ltmp5, $2  }
0x47: {  	_ =	sdelay $0x2  }
0x48: {  	s15 =	sadd.s32 $0x400, s15;
	s16 =	sadd.s32 s16, s12  }
.Ltmp6:
0x49: {  	(pc) =	sbr.rel .LBB2_9-.Ltmp6, $2  }
0x4a: {  	_ =	sdelay $0x2  }
0x4b: {  	[hbm:s16] =	stream.linear.scatter [tilespmem:s13], [sflag:$0x3], $0x400, $0x38;
	[tilespmem:$0x8100] =	vst v63  }
.LBB2_2:
.Ltmp7:
0x4c: {  	(pc) =	sbr.rel .LBB2_10-.Ltmp7, $4  }
0x4d: {  	_ = 	snop  }
0x4e: {  	s12 =	sshrl.u32 s11, $0x3  }
0x4f: {  	s13 =	sand.u32 $0x7, s11;
	s12 =	sadd.s32 s3, s12  }
0x50: {  	[tilespmem:s9], [sflag:$0x2] =	stream.linear.gather [hbm4b:s12+s13], $0x80, $0x38;
	[tilespmem:$0x8100] =	vst v63  }
.LBB2_11:
0x51: {  	s2 =	simm.s32 $0x3  }
0x52: {  	_ =	swait.ge [sflag:s2], $0x4000  }
0x53: {  	[sflag:s2] =	ssyncset.done $0x0  }
0x54: {  	[sflag:s2] =	ssyncadd.s32 $0xFFFFC000  }
0x55: {  	_ =	sfence.sel $0x180000  }
0x56: {  	s3 =	simm.s32 $0x2;
	[bflag:$0x0] =	sbarrier.arrive $0xFFFF  }
0x57: {  	[sflag:s3] =	ssyncpa.u1 $0x1  }
0x58: {  	s31 =	simm.s32 $0x1;
	[sflag:s2] =	ssyncpa.u1 $0x1  }
0x59: {  	[sflag:s31] =	ssyncpa.u1 $0x1  }
0x5a: {  	p0 =	sne.s32 s1, $0x0;
	_ =	strace $0x9000004A  }
0x5b: {  	s0 =	sadd.s32 @!p0 $0x100000, s0;
	[bflag:$0x2] =	sbarrier.arrive $0xFFFF  }
0x5c: {  	[sflag:s0] =	ssyncadd.tile.s32 @!p0 $0x1;
	_ =	shalt  }
.Lfunc_end2:
_tile_overlayer_lowered:
.L_overlay_start_2:
0x5d: {  	(tag) =	ssettag $0x2  }
0x5e: {  	s0 =	rddreg [dreg:$0x0];
	s2 =	stileid.u32  }
0x5f: {  	s1 =	rddreg [dreg:$0x1];
	p0 =	sne.s32 s2, $0x0  }
0x60: {  	s3 =	rddreg [dreg:$0x2];
	[bflag:$0x3] =	sbarrier.arrive $0xFFFF;
	s2 =	simm.s32 @!p0 $0x1C01  }
0x61: {  	[timem:s3], [sflag:s2] =	dma.local @!p0 [hbm:s0], s1  }
0x62: {  	s0 =	simm.s32 @!p0 $0x1  }
0x63: {  	_ =	swait.ge @!p0 [sflag:s0], s1  }
0x64: {  	s1 =	ssub.s32 @!p0 $0x0, s1;
	[sflag:s0] =	ssyncset.done @!p0 $0x0  }
0x65: {  	[sflag:s0] =	ssyncadd.s32 @!p0 s1  }
0x66: {  	[bflag:$0x3] =	sbarrier.arrive $0xFFFF  }
0x67: {  	_ =	shalt  }

// kernel: gather_offload_async_start
scs
__scs_entry_jumppad:
0x0: {  	(pc) =	sbr.rel $0x88, $3  }
0x1: {  	(tag) =	ssettag $0x0;
	lr =	simm.s32 $0x1  }
0x2: {  	[smem:$0x3F9E] =	sst lr;
	_ =	strace $0xD0000000  }
0x3: {  	_ = 	snop  }
0x4: {  	_ = 	snop  }
0x5: {  	_ = 	snop  }
0x6: {  	_ = 	snop  }
0x7: {  	_ = 	snop  }
__scs_overlays_trampoline_lowered:
0x8: {  	[smem:$0x3FAD] =	sst s0  }
0x9: {  	[smem:$0x3FAE] =	sst s1  }
0xa: {  	[smem:$0x3FAF] =	sst s2  }
0xb: {  	[smem:$0x3FB0] =	sst s3  }
0xc: {  	[smem:$0x3FB1] =	sst s4  }
0xd: {  	[smem:$0x3FB2] =	sst s5  }
0xe: {  	[smem:$0x3FB3] =	sst s6  }
0xf: {  	[smem:$0x3FB4] =	sst s7  }
0x10: {  	[smem:$0x3FB5] =	sst s8  }
0x11: {  	[smem:$0x3FB6] =	sst s9;
	s0 =	simm.s32 @!p0 $0x0  }
0x12: {  	s1 =	sld [smem:$0x3F9C];
	s0 =	simm.s32 @p0 $0x1  }
0x13: {  	[smem:$0x3FB7] =	sst s0;
	s0 =	simm.s32 @!p1 $0x0  }
0x14: {  	s2 =	sld [smem:$0x3F9B];
	s0 =	simm.s32 @p1 $0x1  }
0x15: {  	[smem:$0x3FB8] =	sst s0;
	s0 =	simm.s32 @!p2 $0x0  }
0x16: {  	s3 =	sld [smem:$0x3FDB];
	s0 =	simm.s32 @p2 $0x1  }
0x17: {  	s4 =	simm.s32 $0x1BF5;
	[smem:$0x3FBA] =	sst s0  }
0x18: {  	s0 =	sld [smem:$0x3F9D];
	_ =	swait.ge [sflag:s4], $0x0  }
0x19: {  	s7 =	sld [smem:$0x3F9E]  }
0x1a: {  	s8 =	sadd.s32 $0xFFFFE003, lr  }
0x1b: {  	s9 =	sadd.s32 $0xFFFFFEF7, lr;
	s5 =	simm.s32 $0xFFFFFFFF;
	p2 =	slt.u32 s8, $0xFFFFF086  }
0x1c: {  	p1 =	slt.u32 s9, $0xF7A;
	s5 =	simm.s32 @!p2 $0x0  }
0x1d: {  	s5 =	simm.s32 @p1 $0x1;
	p0 =	seq.s32 s7, s2  }
0x1e: {  	s7 =	smul.u32 @!p0 $0xF7A, s2;
	p2 =	seq.s32 @!p0 s5, $0x0  }
0x1f: {  	s9 =	smul.u32 $0xF7A, s1;
	s8 =	simm.s32 @!p0 $0x1BF5;
	p2 =	por !p2, p0  }
0x20: {  	[sflag:s8] =	ssyncset.s32 @!p0 $0xFFFFF086;
	s6 =	sadd.s32 @!p0 s3, s7;
	s7 =	simm.s32 @!p0 $0x108  }
0x21: {  	s3 =	sadd.s32 s3, s9;
	s6 =	sadd.s32 @!p0 $0x88, s6;
	s7 =	simm.s32 @p2 $0x1082  }
0x22: {  	[simem:s7], [sflag:s8] =	dma.local @!p0 [hbm:s6], $0xF7A  }
0x23: {  	s9 =	sor.u32 $0xD0000000, s2;
	s6 =	simm.s32 $0x108;
	_ =	swait.ge @!p0 [sflag:s8], $0x0  }
0x24: {  	s3 =	sadd.s32 $0x88, s3;
	s6 =	simm.s32 @!p1 $0x1082;
	[sflag:s4] =	ssyncset.s32 $0xFFFFF086  }
0x25: {  	[simem:s6], [sflag:s4] =	dma.local [hbm:s3], $0xF7A  }
0x26: {  	[smem:$0x3F9E] =	sst s1;
	(tag) =	ssettag s2;
	_ =	strace s9  }
0x27: {  	s1 =	sld [smem:$0x3FAE]  }
0x28: {  	s2 =	sld [smem:$0x3FAF]  }
0x29: {  	s4 =	sld [smem:$0x3FB1]  }
0x2a: {  	p0 =	seq.s32 s5, $0x0;
	s5 =	sld [smem:$0x3FB2]  }
0x2b: {  	s6 =	sld [smem:$0x3FB3]  }
0x2c: {  	s7 =	sld [smem:$0x3FB4]  }
0x2d: {  	s3 =	simm.s32 $0x108;
	s8 =	sld [smem:$0x3FB5]  }
0x2e: {  	s3 =	simm.s32 @!p0 $0x1082;
	s9 =	sld [smem:$0x3FB6]  }
0x2f: {  	lr =	sadd.s32 s0, s3;
	s0 =	sld [smem:$0x3FAD]  }
0x30: {  	s3 =	sld [smem:$0x3FB0]  }
0x31: {  	[smem:$0x3FB9] =	sst s10  }
0x32: {  	s10 =	sld [smem:$0x3FB7];
	_ =	sdelay $0x3  }
0x33: {  	p0 =	seq.s32 s10, $0x1;
	s10 =	sld [smem:$0x3FB9];
	_ =	sdelay $0x3  }
0x34: {  	[smem:$0x3FB9] =	sst s10  }
0x35: {  	s10 =	sld [smem:$0x3FB8];
	_ =	sdelay $0x3  }
0x36: {  	p1 =	seq.s32 s10, $0x1;
	s10 =	sld [smem:$0x3FB9];
	_ =	sdelay $0x3  }
0x37: {  	[smem:$0x3FB9] =	sst s10  }
0x38: {  	s10 =	sld [smem:$0x3FBA]  }
0x39: {  	_ = 	snop;
	(pc) =	sbr.ind lr, $3  }
0x3a: {  	_ = 	snop  }
0x3b: {  	_ = 	snop  }
0x3c: {  	p2 =	seq.s32 s10, $0x1;
	s10 =	sld [smem:$0x3FB9]  }
0x3d: {  	_ =	shalt  }
0x3e: {  	_ =	shalt  }
0x3f: {  	_ =	shalt  }
0x40: {  	_ =	shalt  }
0x41: {  	_ =	shalt  }
0x42: {  	_ =	shalt  }
0x43: {  	_ =	shalt  }
0x44: {  	_ =	shalt  }
0x45: {  	_ =	shalt  }
0x46: {  	_ =	shalt  }
0x47: {  	_ =	shalt  }
0x48: {  	_ =	shalt  }
0x49: {  	_ =	shalt  }
0x4a: {  	_ =	shalt  }
0x4b: {  	_ =	shalt  }
0x4c: {  	_ =	shalt  }
0x4d: {  	_ =	shalt  }
0x4e: {  	_ =	shalt  }
0x4f: {  	_ =	shalt  }
0x50: {  	_ =	shalt  }
0x51: {  	_ =	shalt  }
0x52: {  	_ =	shalt  }
0x53: {  	_ =	shalt  }
0x54: {  	_ =	shalt  }
0x55: {  	_ =	shalt  }
0x56: {  	_ =	shalt  }
0x57: {  	_ =	shalt  }
0x58: {  	_ =	shalt  }
0x59: {  	_ =	shalt  }
0x5a: {  	_ =	shalt  }
0x5b: {  	_ =	shalt  }
0x5c: {  	_ =	shalt  }
0x5d: {  	_ =	shalt  }
0x5e: {  	_ =	shalt  }
0x5f: {  	_ =	shalt  }
0x60: {  	_ =	shalt  }
0x61: {  	_ =	shalt  }
0x62: {  	_ =	shalt  }
0x63: {  	_ =	shalt  }
0x64: {  	_ =	shalt  }
0x65: {  	_ =	shalt  }
0x66: {  	_ =	shalt  }
0x67: {  	_ =	shalt  }
0x68: {  	_ =	shalt  }
0x69: {  	_ =	shalt  }
0x6a: {  	_ =	shalt  }
0x6b: {  	_ =	shalt  }
0x6c: {  	_ =	shalt  }
0x6d: {  	_ =	shalt  }
0x6e: {  	_ =	shalt  }
0x6f: {  	_ =	shalt  }
0x70: {  	_ =	shalt  }
0x71: {  	_ =	shalt  }
0x72: {  	_ =	shalt  }
0x73: {  	_ =	shalt  }
0x74: {  	_ =	shalt  }
0x75: {  	_ =	shalt  }
0x76: {  	_ =	shalt  }
0x77: {  	_ =	shalt  }
0x78: {  	_ =	shalt  }
0x79: {  	_ =	shalt  }
0x7a: {  	_ =	shalt  }
0x7b: {  	_ =	shalt  }
0x7c: {  	_ =	shalt  }
0x7d: {  	_ =	shalt  }
0x7e: {  	_ =	shalt  }
0x7f: {  	_ =	shalt  }
0x80: {  	_ =	shalt  }
0x81: {  	_ =	shalt  }
0x82: {  	_ =	shalt  }
0x83: {  	_ =	shalt  }
0x84: {  	_ =	shalt  }
0x85: {  	_ =	shalt  }
0x86: {  	_ =	shalt  }
0x87: {  	_ =	shalt  }
.Lfunc_end0:
.L_simem_size_0:
called_computation_lowered:
.L_overlay_start_0:
0x88: {  	s2 =	sld [smem:$0x3FD9]  }
0x89: {  	s3 =	sld [smem:$0x3FFE];
	_ =	sdelay $0x1  }
0x8a: {  	s1 =	srdreg.scid  }
0x8b: {  	s0 =	sand.u32 $0x1, s1  }
0x8c: {  	s17 =	sshll.u32 s0, $0xA;
	s2 =	sadd.s32 s3, s2  }
0x8d: {  	s2 =	sadd.s32 s2, s17  }
0x8e: {  	[smem:$0x3FC5] =	sst s2  }
0x8f: {  	_ = 	snop  }
0x90: {  	s2 =	sld [smem:$0x3FD0];
	(tm) =	ssettm $0x1  }
0x91: {  	s18 =	sld [smem:$0x3FFB];
	_ =	sdelay $0x3  }
0x92: {  	_ =	strace s18  }
0x93: {  	s3 =	sld [smem:$0x3FFC];
	_ =	sdelay $0x3  }
0x94: {  	_ =	strace s3  }
0x95: {  	s3 =	sld [smem:$0x3FFD];
	_ =	sdelay $0x3  }
0x96: {  	_ =	strace s3  }
0x97: {  	_ =	strace $0x8FFFFFFF  }
0x98: {  	s19 =	sld [smem:$0x3FDB];
	_ =	sdelay $0x1  }
0x99: {  	s4 =	simm.s32 $_scs_section_size  }
0x9a: {  	s5 =	simm.s32 $_size__tile_overlayer_lowered;
	s6 =	simm.s32 $_tile_overlayer_lowered  }
0x9b: {  	s22 =	simm.s32 $0x1BFF;
	s21 =	sshll.u32 s6, $0x1;
	s3 =	sadd.s32 s4, s19  }
0x9c: {  	s7 =	simm.s32 $0x0;
	s20 =	sshll.u32 s5, $0x1;
	s5 =	sadd.s32 s21, s3  }
0x9d: {  	[timem:s7], [sflag:s22] =	dma.local [hbm:s5], s20  }
0x9e: {  	_ =	swait.ge [sflag:s22], s20  }
0x9f: {  	s4 =	ssub.s32 $0x0, s20;
	[sflag:s22] =	ssyncset.done $0x0  }
0xa0: {  	[sflag:s22] =	ssyncadd.s32 s4;
	_ =	sdelay $0x1  }
0xa1: {  	s23 =	simm.s32 $0x1B8B  }
0xa2: {  	_ =	swait.ge [sflag:s23], $0x1  }
0xa3: {  	[sflag:s23] =	ssyncset.done $0x0  }
0xa4: {  	s25 =	simm.s32 $0x1B8E;
	s24 =	sld [smem:$0x3FFE];
	[sflag:s23] =	ssyncadd.s32 $0xFFFFFFFF  }
0xa5: {  	s26 =	simm.s32 $execute0_lowered;
	[smem:$0x3FD2] =	sst s25  }
0xa6: {  	s5 =	sshll.u32 s26, $0x1;
	_ =	strace $0x80000046;
	[dreg:$0x1] =	wrdreg $0xFFFFFFFF  }
0xa7: {  	s28 =	simm.s32 $_size_execute0_lowered;
	s3 =	sadd.s32 s3, s5;
	[dreg:$0x0] =	wrdreg $0x0  }
0xa8: {  	s5 =	sshll.u32 s28, $0x1;
	[dreg:$0x2] =	wrdreg s3  }
0xa9: {  	[dreg:$0x3] =	wrdreg s5  }
0xaa: {  	[dreg:$0x4] =	wrdreg $0xC0  }
0xab: {  	_ =	task [dreg:s7], $0x5FFFF  }
0xac: {  	[dreg:$0x1] =	wrdreg $0xFFFFFFFF  }
0xad: {  	[dreg:$0x0] =	wrdreg $0x60  }
0xae: {  	[dreg:$0x2] =	wrdreg s24  }
0xaf: {  	[dreg:$0x3] =	wrdreg s2  }
0xb0: {  	[dreg:$0x4] =	wrdreg $0x9  }
0xb1: {  	_ =	task.clear_ibuf [dreg:s7], $0x5FFFF;
	_ =	strace $0x90000046  }
0xb2: {  	s29 =	simm.s32 $0x9;
	_ =	strace $0x80000048  }
0xb3: {  	_ =	swait.ge [sflag:s29], $0x1  }
0xb4: {  	[sflag:s29] =	ssyncadd.s32 $0xFFFFFFFF  }
0xb5: {  	_ =	strace $0x90000048  }
0xb6: {  	_ =	sfence  }
0xb7: {  	s30 =	sld [smem:$0x0];
	_ =	sdelay $0x2  }
0xb8: {  	s31 =	sshll.u32 s1, $0xD;
	s1 =	sshrl.u32 s1, $0x2  }
0xb9: {  	s3 =	sand.u32 $0x4000, s31;
	s1 =	sadd.s32 s1, s30  }
0xba: {  	s0 =	sor.u32 s3, s0;
	s1 =	sshll.u32 s1, $0x11  }
0xbb: {  	s0 =	sor.u32 s1, s0  }
0xbc: {  	s0 =	sadd.s32 $0x8F2B, s0  }
0xbd: {  	[sflag:s0] =	ssyncadd.remote.s32 $0x1  }
0xbe: {  	_ =	sfence.sel $0xFFFF  }
0xbf: {  	[dreg:$0x0] =	wrdreg $0xFFFFFFFF;
	(pc) =	sbr.abs _section_cstart, $3  }
0xc0: {  	[dreg:$0x1] =	wrdreg $0xFFFFFFFF  }
0xc1: {  	_ =	task.clear_ibuf [dreg:s7], $0x2FFFF;
	_ =	strace $0x9FFFFFFF  }
0xc2: {  	(tm) =	ssettm $0x7FFFFFFF  }
0xc3: {  	_ =	shalt  }
tec
execute0_lowered:
.L_overlay_start_1:
0x0: {  	(tag) =	ssettag $0x1  }
0x1: {  	s7 =	rddreg [dreg:$0x0]  }
0x2: {  	s2 =	rddreg [dreg:$0x1]  }
0x3: {  	s0 =	rddreg [dreg:$0x2]  }
0x4: {  	s1 =	srdreg.scid;
	_ =	strace $0x80000047;
	s4 =	simm.s32 $0x1  }
0x5: {  	s9 =	simm.s32 $0x3;
	s12 =	simm.s32 $0x0;
	s5 =	sshll.u32 s1, $0x4  }
.Ltmp0:
0x6: {  	s1 =	stileid.u32;
	s5 =	sand.u32 $0x10, s5;
	(pc) =	sbr.rel .LBB2_1-.Ltmp0, $4  }
0x7: {  	s10 =	simm.s32 $0x0;
	s3 =	sadd.s32 $0xC000, s7;
	s6 =	sor.u32 s1, s5  }
0x8: {  	[sflag:s4] =	ssyncpa.u1 $0x0;
	s5 =	simm.s32 $0x2;
	s6 =	sshll.u32 s6, $0x7  }
0x9: {  	s7 =	sadd.s32 $0x18C000, s7;
	[sflag:s5] =	ssyncpa.u1 $0x0;
	s8 =	sadd.s32 $0x80, s6  }
0xa: {  	vm0 =	vmmov $0xff;
	vm1 =	vcmask $0x3F20;
	[sflag:s9] =	ssyncpa.u1 $0x0;
	s9 =	simm.s32 $0x80;
	s11 =	smov.u32 s6  }
.LBB2_9:
0xb: {  	p0 =	seq.s32 s10, $0x2  }
.Ltmp1:
0xc: {  	_ = 	snop;
	(pc) =	sbr.rel @p0 .LBB2_11-.Ltmp1, $1  }
0xd: {  	_ =	sdelay $0x3  }
.LBB2_10:
0xe: {  	s12 =	sadd.s32 $0x80, s11  }
0xf: {  	s13 =	smov.u32 s6;
	p0 =	slt.s32 s12, s8  }
0x10: {  	s13 =	smov.u32 @p0 s12  }
0x11: {  	s10 =	sadd.s32 $0x1, s10;
	s12 =	smov.u32 s11;
	s11 =	smov.u32 s13  }
.LBB2_1:
0x12: {  	p0 =	sne.s32 s10, $0x0  }
.Ltmp2:
0x13: {  	_ = 	snop;
	(pc) =	sbr.rel @!p0 .LBB2_2-.Ltmp2, $1  }
0x14: {  	_ =	sdelay $0x3  }
0x15: {  	s13 =	sand.u32 $0x1, s10  }
0x16: {  	p0 =	seq.s32 s13, $0x0  }
.Ltmp3:
0x17: {  	_ = 	snop;
	(pc) =	sbr.rel @p0 .LBB2_9-.Ltmp3, $1  }
0x18: {  	_ =	sdelay $0x3  }
0x19: {  	_ =	swait.ge [sflag:s5], $0x80  }
0x1a: {  	[sflag:s5] =	ssyncset.done $0x0  }
0x1b: {  	s13 =	simm.s32 $0x0;
	[sflag:s5] =	ssyncadd.s32 $0xFFFFFF80  }
0x1c: {  	v0 =	vld.msk [tilespmem:s13+$0x80 ss:$0x1], $0xffff;
	_ =	sdelay $0x4  }
0x1d: {  	vm2 =	vgt.s32 v0, $0x0  }
0x1e: {  	v0 =	vnsel vm2, $0x0, v0  }
0x1f: {  	v0 =	vmin.u32 v0, $0x17FFF  }
0x20: {  	v0 =	vshll.u32 v0, $0x4;
	_ =	sdelay $0x3  }
0x21: {  	s13 =	simm.s32 $0x4100  }
0x22: {  	[tilespmem:s13], [sflag:$0x1] =	stream.indirect_vreg.gather [hbm:s3], $0x80, v0, vm0, $0x38;
	[tilespmem:$0x8100] =	vst v63  }
0x23: {  	s14 =	simm.s32 $0x4500;
	s31 =	simm.s32 $0x10  }
0x24: {  	[tilespmem:s14], [sflag:$0x1] =	stream.indirect_vreg.gather [hbm:s3], $0x80, v0, vm1, $0x38;
	[tilespmem:$0x8100] =	vst v63  }
0x25: {  	s14 =	simm.s32 $0x80;
	v0 =	vld.msk [tilespmem:s31+$0x80 ss:$0x1], $0xffff  }
.LBB2_5:
0x26: {  	p0 =	sne.s32 s14, $0x1C0;
	_ =	sdelay $0x4  }
0x27: {  	vm2 =	vgt.s32 v0, $0x0  }
0x28: {  	v0 =	vnsel vm2, $0x0, v0  }
0x29: {  	v0 =	vmin.u32 v0, $0x17FFF  }
0x2a: {  	v0 =	vshll.u32 v0, $0x4;
	_ =	sdelay $0x3  }
.Ltmp4:
0x2b: {  	s13 =	sadd.s32 $0x800, s13;
	(pc) =	sbr.rel @p0 .LBB2_5-.Ltmp4, $4  }
0x2c: {  	[tilespmem:s13], [sflag:$0x1] =	stream.indirect_vreg.gather [hbm:s3], $0x80, v0, vm0, $0x38;
	[tilespmem:$0x8100] =	vst v63  }
0x2d: {  	s15 =	sshra.s32 s14, $0x2;
	s16 =	sadd.s32 $0x400, s13  }
0x2e: {  	[tilespmem:s16], [sflag:$0x1] =	stream.indirect_vreg.gather [hbm:s3], $0x80, v0, vm1, $0x38;
	[tilespmem:$0x8100] =	vst v63  }
0x2f: {  	s14 =	sadd.s32 $0x40, s14;
	v0 =	vld.msk [tilespmem:s15+$0x80 ss:$0x1], $0xffff  }
0x30: {  	_ =	sdelay $0x3  }
0x31: {  	vm2 =	vgt.s32 v0, $0x0  }
0x32: {  	v0 =	vnsel vm2, $0x0, v0  }
0x33: {  	v0 =	vmin.u32 v0, $0x17FFF  }
0x34: {  	v0 =	vshll.u32 v0, $0x4;
	_ =	sdelay $0x3  }
0x35: {  	s13 =	sadd.s32 $0x800, s13  }
0x36: {  	[tilespmem:s13], [sflag:$0x1] =	stream.indirect_vreg.gather [hbm:s3], $0x80, v0, vm0, $0x38;
	[tilespmem:$0x8100] =	vst v63  }
0x37: {  	s13 =	sadd.s32 $0x400, s13  }
0x38: {  	[tilespmem:s13], [sflag:$0x1] =	stream.indirect_vreg.gather [hbm:s3], $0x80, v0, vm1, $0x38;
	[tilespmem:$0x8100] =	vst v63  }
0x39: {  	s12 =	sshll.u32 s12, $0x4;
	s14 =	simm.s32 $0x80;
	_ =	swait.ge [sflag:s4], $0x4000  }
0x3a: {  	s15 =	simm.s32 $0x4500;
	s12 =	sadd.s32 s12, s7;
	[sflag:s4] =	ssyncset.done $0x0  }
0x3b: {  	s16 =	sadd.s32 $0x0, s12;
	s13 =	simm.s32 $0x4100;
	[sflag:s4] =	ssyncadd.s32 $0xFFFFC000  }
.LBB2_7:
0x3c: {  	[hbm:s16] =	stream.linear.scatter [tilespmem:s13], [sflag:$0x3], $0x400, $0x38;
	[tilespmem:$0x8100] =	vst v63  }
0x3d: {  	s16 =	smov.u32 s14;
	s13 =	smov.u32 s15;
	p0 =	sne.s32 s14, $0x780  }
.Ltmp5:
0x3e: {  	s14 =	sadd.s32 $0x80, s14;
	(pc) =	sbr.rel @p0 .LBB2_7-.Ltmp5, $2  }
0x3f: {  	_ =	sdelay $0x2  }
0x40: {  	s15 =	sadd.s32 $0x400, s15;
	s16 =	sadd.s32 s16, s12  }
.Ltmp6:
0x41: {  	(pc) =	sbr.rel .LBB2_9-.Ltmp6, $2  }
0x42: {  	_ =	sdelay $0x2  }
0x43: {  	[hbm:s16] =	stream.linear.scatter [tilespmem:s13], [sflag:$0x3], $0x400, $0x38;
	[tilespmem:$0x8100] =	vst v63  }
.LBB2_2:
.Ltmp7:
0x44: {  	(pc) =	sbr.rel .LBB2_10-.Ltmp7, $4  }
0x45: {  	_ = 	snop  }
0x46: {  	s12 =	sshrl.u32 s11, $0x3  }
0x47: {  	s13 =	sand.u32 $0x7, s11;
	s12 =	sadd.s32 s2, s12  }
0x48: {  	[tilespmem:s9], [sflag:$0x2] =	stream.linear.gather [hbm4b:s12+s13], $0x80, $0x38;
	[tilespmem:$0x8100] =	vst v63  }
.LBB2_11:
0x49: {  	s2 =	simm.s32 $0x3  }
0x4a: {  	_ =	swait.ge [sflag:s2], $0x4000  }
0x4b: {  	[sflag:s2] =	ssyncset.done $0x0  }
0x4c: {  	[sflag:s2] =	ssyncadd.s32 $0xFFFFC000  }
0x4d: {  	_ =	sfence.sel $0x180000  }
0x4e: {  	s3 =	simm.s32 $0x2;
	[bflag:$0x0] =	sbarrier.arrive $0xFFFF  }
0x4f: {  	[sflag:s3] =	ssyncpa.u1 $0x1  }
0x50: {  	s31 =	simm.s32 $0x1;
	[sflag:s2] =	ssyncpa.u1 $0x1  }
0x51: {  	[sflag:s31] =	ssyncpa.u1 $0x1  }
0x52: {  	p0 =	sne.s32 s1, $0x0;
	_ =	strace $0x90000047  }
0x53: {  	s0 =	sadd.s32 @!p0 $0x100000, s0;
	[bflag:$0x2] =	sbarrier.arrive $0xFFFF  }
0x54: {  	[sflag:s0] =	ssyncadd.tile.s32 @!p0 $0x1;
	_ =	shalt  }
.Lfunc_end2:
_tile_overlayer_lowered:
.L_overlay_start_2:
0x55: {  	(tag) =	ssettag $0x2  }
0x56: {  	s0 =	rddreg [dreg:$0x0];
	s2 =	stileid.u32  }
0x57: {  	s1 =	rddreg [dreg:$0x1];
	p0 =	sne.s32 s2, $0x0  }
0x58: {  	s3 =	rddreg [dreg:$0x2];
	[bflag:$0x3] =	sbarrier.arrive $0xFFFF;
	s2 =	simm.s32 @!p0 $0x1C01  }
0x59: {  	[timem:s3], [sflag:s2] =	dma.local @!p0 [hbm:s0], s1  }
0x5a: {  	s0 =	simm.s32 @!p0 $0x1  }
0x5b: {  	_ =	swait.ge @!p0 [sflag:s0], s1  }
0x5c: {  	s1 =	ssub.s32 @!p0 $0x0, s1;
	[sflag:s0] =	ssyncset.done @!p0 $0x0  }
0x5d: {  	[sflag:s0] =	ssyncadd.s32 @!p0 s1  }
0x5e: {  	[bflag:$0x3] =	sbarrier.arrive $0xFFFF  }
0x5f: {  	_ =	shalt  }

</sc_bundles>
